<compile_context>
chip_gen: v7x
topology: tpu7x:2x2x1
jax: 0.10.2.dev20260603
libtpu: 0.0.44.dev20260713+nightly
codegen_flags: <defaults>
</compile_context>

<pallas_src>
import functools

import jax
import jax.numpy as jnp
from jax import lax
from jax.experimental import pallas as pl
from jax.experimental.pallas import tpu as pltpu
from jax.experimental.pallas import tpu_sc as plsc

N_TOKENS = 16384
INPUT_DIM = 768
N_EMB = 8192
EMB_DIM = 256

TM = 512
TE = 2048

_NC = 2
_NS = 16
_NW = _NC * _NS
_B_PER_W = N_TOKENS // _NW
_CHUNK = 128


def _bf16(v):
    return v.astype(jnp.bfloat16)


def _argmin_body(x_ref, inw_ref, inb_ref, emb_ref, idx_ref,
                 flat_ref, a2_ref, bv_ref, bi_ref):
    e = pl.program_id(1)

    @pl.when(e == 0)
    def _():
        acc = lax.dot_general(
            _bf16(x_ref[:, 0:256]), _bf16(inw_ref[:, 0:256]),
            (((1,), (1,)), ((), ())), preferred_element_type=jnp.float32)
        for i in range(1, 3):
            acc = acc + lax.dot_general(
                _bf16(x_ref[:, i * 256:(i + 1) * 256]),
                _bf16(inw_ref[:, i * 256:(i + 1) * 256]),
                (((1,), (1,)), ((), ())), preferred_element_type=jnp.float32)
        flat = acc + inb_ref[...]
        a2_ref[...] = jnp.sum(flat * flat, axis=1, keepdims=True)
        flat_ref[...] = _bf16(flat).astype(jnp.float32)
        bv_ref[...] = jnp.full((TM, 1), jnp.inf, dtype=jnp.float32)
        bi_ref[...] = jnp.zeros((TM, 1), dtype=jnp.int32)

    emb = emb_ref[...]
    s = lax.dot_general(
        flat_ref[...], emb, (((1,), (1,)), ((), ())),
        preferred_element_type=jnp.float32)
    b2 = jnp.sum(emb * emb, axis=1)[None, :]
    d2 = (a2_ref[...] + b2) - 2.0 * s
    lv = jnp.min(d2, axis=1, keepdims=True)
    la = jnp.argmin(d2, axis=1).astype(jnp.int32)[:, None] + e * TE
    better = lv < bv_ref[...]
    bv_ref[...] = jnp.where(better, lv, bv_ref[...])
    bi_ref[...] = jnp.where(better, la, bi_ref[...])

    @pl.when(e == pl.num_programs(1) - 1)
    def _():
        idx_ref[...] = bi_ref[...]


def _encode_indices(inputs, in_w, in_b2d, emb_w):
    return pl.pallas_call(
        _argmin_body,
        grid=(N_TOKENS // TM, N_EMB // TE),
        in_specs=[
            pl.BlockSpec((TM, INPUT_DIM), lambda t, e: (t, 0)),
            pl.BlockSpec((EMB_DIM, INPUT_DIM), lambda t, e: (0, 0)),
            pl.BlockSpec((1, EMB_DIM), lambda t, e: (0, 0)),
            pl.BlockSpec((TE, EMB_DIM), lambda t, e: (e, 0)),
        ],
        out_specs=pl.BlockSpec((TM, 1), lambda t, e: (t, 0)),
        out_shape=jax.ShapeDtypeStruct((N_TOKENS, 1), jnp.int32),
        scratch_shapes=[
            pltpu.VMEM((TM, EMB_DIM), jnp.float32),
            pltpu.VMEM((TM, 1), jnp.float32),
            pltpu.VMEM((TM, 1), jnp.float32),
            pltpu.VMEM((TM, 1), jnp.int32),
        ],
        compiler_params=pltpu.CompilerParams(
            dimension_semantics=("parallel", "arbitrary")),
    )(inputs, in_w, in_b2d, emb_w)


def _table_body(emb_ref, outw_ref, outb_ref, tab_ref):
    tab_ref[...] = lax.dot_general(
        _bf16(emb_ref[...]).astype(jnp.float32), outw_ref[...],
        (((1,), (1,)), ((), ())),
        preferred_element_type=jnp.float32) + outb_ref[...]


def _make_table(emb_w, out_w, out_b2d):
    TB = 2048
    return pl.pallas_call(
        _table_body,
        grid=(N_EMB // TB,),
        in_specs=[
            pl.BlockSpec((TB, EMB_DIM), lambda i: (i, 0)),
            pl.BlockSpec((INPUT_DIM, EMB_DIM), lambda i: (0, 0)),
            pl.BlockSpec((1, INPUT_DIM), lambda i: (0, 0)),
        ],
        out_specs=pl.BlockSpec((TB, INPUT_DIM), lambda i: (i, 0)),
        out_shape=jax.ShapeDtypeStruct((N_EMB, INPUT_DIM), jnp.float32),
    )(emb_w, out_w, out_b2d)


@functools.cache
def _gather_rows_kernel():
    @functools.partial(
        pl.kernel,
        mesh=plsc.VectorSubcoreMesh(core_axis_name="c", subcore_axis_name="s"),
        out_type=jax.ShapeDtypeStruct((N_TOKENS, INPUT_DIM), jnp.float32),
        scratch_types=[
            pltpu.VMEM((_CHUNK,), jnp.int32),
            pltpu.VMEM((_CHUNK, INPUT_DIM), jnp.float32),
            pltpu.SemaphoreType.DMA,
        ],
    )
    def _gather_rows(table_hbm, idx_hbm, out_hbm, idx_v, rows_v, sem):
        wid = lax.axis_index("s") * _NC + lax.axis_index("c")
        base = wid * _B_PER_W
        for c in range(_B_PER_W // _CHUNK):
            off = base + c * _CHUNK
            pltpu.sync_copy(idx_hbm.at[pl.ds(off, _CHUNK)], idx_v)
            pltpu.async_copy(table_hbm.at[idx_v], rows_v, sem).wait()
            pltpu.sync_copy(rows_v, out_hbm.at[pl.ds(off, _CHUNK)])

    return _gather_rows


def kernel(inputs, emb_w, in_w, in_b, out_w, out_b):
    idx = _encode_indices(inputs, in_w, in_b.reshape(1, -1), emb_w)
    table = _make_table(emb_w, out_w, out_b.reshape(1, -1))
    return _gather_rows_kernel()(table, idx.reshape(-1))

# --- scband reference (transcript-rebuilt; emitter-appended) ---
"""Pipeline reference for scband-residual-quantizer-90933047591095 (READ-ONLY COPY).

The authoritative reference and input builder live on the scoring server;
editing this copy changes nothing except your own understanding.
"""

import jax, jax.numpy as jnp
import numpy as np

N_TOKENS = 16384
INPUT_DIM = 768
N_EMB = 8192
EMB_DIM = 256

def setup_inputs(seed: int = 0) -> dict:
    key = jax.random.key(seed)
    k1, k2, k3, k4, k5, k6 = jax.random.split(key, 6)
    inputs = jax.random.normal(k1, (N_TOKENS, INPUT_DIM), dtype=jnp.float32)
    emb_w = jax.random.normal(k2, (N_EMB, EMB_DIM), dtype=jnp.float32)
    in_w = jax.random.normal(k3, (EMB_DIM, INPUT_DIM), dtype=jnp.float32) * (1.0 / np.sqrt(INPUT_DIM))
    in_b = jax.random.normal(k4, (EMB_DIM,), dtype=jnp.float32) * 0.01
    out_w = jax.random.normal(k5, (INPUT_DIM, EMB_DIM), dtype=jnp.float32) * (1.0 / np.sqrt(EMB_DIM))
    out_b = jax.random.normal(k6, (INPUT_DIM,), dtype=jnp.float32) * 0.01
    return {"inputs": inputs, "emb_w": emb_w, "in_w": in_w, "in_b": in_b, "out_w": out_w, "out_b": out_b}

def reference(inputs, emb_w, in_w, in_b, out_w, out_b):
    # input_proj: Linear(input_dim -> embedding_dim), torch convention y = x @ W^T + b
    flat_input = inputs.reshape(-1, inputs.shape[-1]) @ in_w.T + in_b
    # torch.cdist (p=2 euclidean) via expansion
    a2 = jnp.sum(flat_input * flat_input, axis=1, keepdims=True)
    b2 = jnp.sum(emb_w * emb_w, axis=1)[None, :]
    d2 = a2 + b2 - 2.0 * (flat_input @ emb_w.T)
    distances = jnp.sqrt(jnp.maximum(d2, 0.0))
    encoding_indices = jnp.argmin(distances, axis=1)
    # embedding lookup (gather)
    quantized = jnp.take(emb_w, encoding_indices, axis=0)
    # output_proj: Linear(embedding_dim -> input_dim)
    quantized = quantized @ out_w.T + out_b
    # straight-through estimator
    quantized = inputs + jax.lax.stop_gradient(quantized - inputs)
    return quantized

if __name__ == "__main__":
    import jax
    _d = setup_inputs()
    print(jax.jit(kernel)(*tuple(_d.values())))

</pallas_src>

<mosaic_0001>
#map = affine_map<(d0, d1) -> (0, 0)>
#map1 = affine_map<(d0, d1) -> (0)>
module attributes {stable_mosaic.version = 14 : i64} {
  func.func @_gather_rows(%arg0: i32, %arg1: i32, %arg2: memref<8192x768xf32, #tpu.memory_space<hbm>>, %arg3: memref<16384xi32, #tpu.memory_space<hbm>>, %arg4: memref<16384x768xf32, #tpu.memory_space<hbm>>, %arg5: memref<128xi32, #tpu.memory_space<vmem>>, %arg6: memref<128x768xf32, #tpu.memory_space<vmem>>, %arg7: memref<!tpu.dma_semaphore, #tpu.memory_space<semaphore_mem>>) attributes {dimension_semantics = [#tpu.dimension_semantics<core_parallel>, #tpu.dimension_semantics<subcore_parallel>], iteration_bounds = array<i64: 2, 16>, scalar_prefetch = 0 : i64, scratch_operands = 3 : i64, tpu.core_type = #tpu.core_type<sc_vector_subcore>, window_params = [{transform_indices = #map}, {transform_indices = #map1}, {transform_indices = #map}]} {
    %mul3A = arith.constant 2 : i32
    %mul3A_0 = arith.muli %arg1, %mul3A : i32
    %add3A = arith.addi %mul3A_0, %arg0 : i32
    %mul3A_1 = arith.constant 512 : i32
    %mul3A_2 = arith.muli %add3A, %mul3A_1 : i32
    %add3A_3 = arith.constant 0 : i32
    %add3A_4 = arith.addi %mul3A_2, %add3A_3 : i32
    "tpu.region"() ({
      %run_scoped3A = tpu.sem_alloc : memref<!tpu.dma_semaphore, #tpu.memory_space<semaphore_mem>>
      %dma_start3A_33 = tpu.memref_slice %arg3[%add3A_4] : memref<16384xi32, #tpu.memory_space<hbm>> -> memref<128xi32, #tpu.memory_space<hbm>>
      %dma_start3A_34 = tpu.memref_slice %arg3[%add3A_4] : memref<16384xi32, #tpu.memory_space<hbm>> -> memref<128xi32, #tpu.memory_space<hbm>>
      tpu.enqueue_dma source(%dma_start3A_34 : memref<128xi32, #tpu.memory_space<hbm>>) target(%arg5 : memref<128xi32, #tpu.memory_space<vmem>>) target_semaphore(%run_scoped3A : memref<!tpu.dma_semaphore, #tpu.memory_space<semaphore_mem>>)
      %dma_wait3A_35 = tpu.memref_slice %arg3[%add3A_4] : memref<16384xi32, #tpu.memory_space<hbm>> -> memref<128xi32, #tpu.memory_space<hbm>>
      %dma_wait3A_36 = tpu.memref_slice %arg3[%add3A_4] : memref<16384xi32, #tpu.memory_space<hbm>> -> memref<128xi32, #tpu.memory_space<hbm>>
      tpu.wait_dma2 semaphore(%run_scoped3A : memref<!tpu.dma_semaphore, #tpu.memory_space<semaphore_mem>>) src(%dma_wait3A_36 : memref<128xi32, #tpu.memory_space<hbm>>) dst(%arg5 : memref<128xi32, #tpu.memory_space<vmem>>)
      tpu.yield
    }) : () -> ()
    %dma_start3A = arith.constant 0 : i32
    %dma_start3A_5 = arith.constant 0 : i32
    %dma_start3A_6 = tpu.memref_slice %arg2[%dma_start3A, %dma_start3A_5] : memref<8192x768xf32, #tpu.memory_space<hbm>> -> memref<8192x768xf32, #tpu.memory_space<hbm>>
    tpu.enqueue_indirect_dma source(%dma_start3A_6 : memref<8192x768xf32, #tpu.memory_space<hbm>>) target(%arg6 : memref<128x768xf32, #tpu.memory_space<vmem>>) offsets(%arg5 : memref<128xi32, #tpu.memory_space<vmem>>) semaphore(%arg7 : memref<!tpu.dma_semaphore, #tpu.memory_space<semaphore_mem>>)
    %dma_wait3A = arith.constant 0 : i32
    %dma_wait3A_7 = arith.constant 0 : i32
    %dma_wait3A_8 = tpu.memref_slice %arg2[%dma_wait3A, %dma_wait3A_7] : memref<8192x768xf32, #tpu.memory_space<hbm>> -> memref<8192x768xf32, #tpu.memory_space<hbm>>
    tpu.wait_indirect_dma semaphore(%arg7 : memref<!tpu.dma_semaphore, #tpu.memory_space<semaphore_mem>>) src(%dma_wait3A_8 : memref<8192x768xf32, #tpu.memory_space<hbm>>) dst(%arg6 : memref<128x768xf32, #tpu.memory_space<vmem>>)
    "tpu.region"() ({
      %run_scoped3A = tpu.sem_alloc : memref<!tpu.dma_semaphore, #tpu.memory_space<semaphore_mem>>
      %dma_start3A_33 = arith.constant 0 : i32
      %dma_start3A_34 = tpu.memref_slice %arg4[%add3A_4, %dma_start3A_33] : memref<16384x768xf32, #tpu.memory_space<hbm>> -> memref<128x768xf32, #tpu.memory_space<hbm>>
      %dma_start3A_35 = arith.constant 0 : i32
      %dma_start3A_36 = tpu.memref_slice %arg4[%add3A_4, %dma_start3A_35] : memref<16384x768xf32, #tpu.memory_space<hbm>> -> memref<128x768xf32, #tpu.memory_space<hbm>>
      tpu.enqueue_dma source(%arg6 : memref<128x768xf32, #tpu.memory_space<vmem>>) target(%dma_start3A_36 : memref<128x768xf32, #tpu.memory_space<hbm>>) target_semaphore(%run_scoped3A : memref<!tpu.dma_semaphore, #tpu.memory_space<semaphore_mem>>)
      %dma_wait3A_37 = arith.constant 0 : i32
      %dma_wait3A_38 = tpu.memref_slice %arg4[%add3A_4, %dma_wait3A_37] : memref<16384x768xf32, #tpu.memory_space<hbm>> -> memref<128x768xf32, #tpu.memory_space<hbm>>
      %dma_wait3A_39 = arith.constant 0 : i32
      %dma_wait3A_40 = tpu.memref_slice %arg4[%add3A_4, %dma_wait3A_39] : memref<16384x768xf32, #tpu.memory_space<hbm>> -> memref<128x768xf32, #tpu.memory_space<hbm>>
      tpu.wait_dma2 semaphore(%run_scoped3A : memref<!tpu.dma_semaphore, #tpu.memory_space<semaphore_mem>>) src(%arg6 : memref<128x768xf32, #tpu.memory_space<vmem>>) dst(%dma_wait3A_40 : memref<128x768xf32, #tpu.memory_space<hbm>>)
      tpu.yield
    }) : () -> ()
    %add3A_9 = arith.constant 128 : i32
    %add3A_10 = arith.addi %mul3A_2, %add3A_9 : i32
    "tpu.region"() ({
      %run_scoped3A = tpu.sem_alloc : memref<!tpu.dma_semaphore, #tpu.memory_space<semaphore_mem>>
      %dma_start3A_33 = tpu.memref_slice %arg3[%add3A_10] : memref<16384xi32, #tpu.memory_space<hbm>> -> memref<128xi32, #tpu.memory_space<hbm>>
      %dma_start3A_34 = tpu.memref_slice %arg3[%add3A_10] : memref<16384xi32, #tpu.memory_space<hbm>> -> memref<128xi32, #tpu.memory_space<hbm>>
      tpu.enqueue_dma source(%dma_start3A_34 : memref<128xi32, #tpu.memory_space<hbm>>) target(%arg5 : memref<128xi32, #tpu.memory_space<vmem>>) target_semaphore(%run_scoped3A : memref<!tpu.dma_semaphore, #tpu.memory_space<semaphore_mem>>)
      %dma_wait3A_35 = tpu.memref_slice %arg3[%add3A_10] : memref<16384xi32, #tpu.memory_space<hbm>> -> memref<128xi32, #tpu.memory_space<hbm>>
      %dma_wait3A_36 = tpu.memref_slice %arg3[%add3A_10] : memref<16384xi32, #tpu.memory_space<hbm>> -> memref<128xi32, #tpu.memory_space<hbm>>
      tpu.wait_dma2 semaphore(%run_scoped3A : memref<!tpu.dma_semaphore, #tpu.memory_space<semaphore_mem>>) src(%dma_wait3A_36 : memref<128xi32, #tpu.memory_space<hbm>>) dst(%arg5 : memref<128xi32, #tpu.memory_space<vmem>>)
      tpu.yield
    }) : () -> ()
    %dma_start3A_11 = arith.constant 0 : i32
    %dma_start3A_12 = arith.constant 0 : i32
    %dma_start3A_13 = tpu.memref_slice %arg2[%dma_start3A_11, %dma_start3A_12] : memref<8192x768xf32, #tpu.memory_space<hbm>> -> memref<8192x768xf32, #tpu.memory_space<hbm>>
    tpu.enqueue_indirect_dma source(%dma_start3A_13 : memref<8192x768xf32, #tpu.memory_space<hbm>>) target(%arg6 : memref<128x768xf32, #tpu.memory_space<vmem>>) offsets(%arg5 : memref<128xi32, #tpu.memory_space<vmem>>) semaphore(%arg7 : memref<!tpu.dma_semaphore, #tpu.memory_space<semaphore_mem>>)
    %dma_wait3A_14 = arith.constant 0 : i32
    %dma_wait3A_15 = arith.constant 0 : i32
    %dma_wait3A_16 = tpu.memref_slice %arg2[%dma_wait3A_14, %dma_wait3A_15] : memref<8192x768xf32, #tpu.memory_space<hbm>> -> memref<8192x768xf32, #tpu.memory_space<hbm>>
    tpu.wait_indirect_dma semaphore(%arg7 : memref<!tpu.dma_semaphore, #tpu.memory_space<semaphore_mem>>) src(%dma_wait3A_16 : memref<8192x768xf32, #tpu.memory_space<hbm>>) dst(%arg6 : memref<128x768xf32, #tpu.memory_space<vmem>>)
    "tpu.region"() ({
      %run_scoped3A = tpu.sem_alloc : memref<!tpu.dma_semaphore, #tpu.memory_space<semaphore_mem>>
      %dma_start3A_33 = arith.constant 0 : i32
      %dma_start3A_34 = tpu.memref_slice %arg4[%add3A_10, %dma_start3A_33] : memref<16384x768xf32, #tpu.memory_space<hbm>> -> memref<128x768xf32, #tpu.memory_space<hbm>>
      %dma_start3A_35 = arith.constant 0 : i32
      %dma_start3A_36 = tpu.memref_slice %arg4[%add3A_10, %dma_start3A_35] : memref<16384x768xf32, #tpu.memory_space<hbm>> -> memref<128x768xf32, #tpu.memory_space<hbm>>
      tpu.enqueue_dma source(%arg6 : memref<128x768xf32, #tpu.memory_space<vmem>>) target(%dma_start3A_36 : memref<128x768xf32, #tpu.memory_space<hbm>>) target_semaphore(%run_scoped3A : memref<!tpu.dma_semaphore, #tpu.memory_space<semaphore_mem>>)
      %dma_wait3A_37 = arith.constant 0 : i32
      %dma_wait3A_38 = tpu.memref_slice %arg4[%add3A_10, %dma_wait3A_37] : memref<16384x768xf32, #tpu.memory_space<hbm>> -> memref<128x768xf32, #tpu.memory_space<hbm>>
      %dma_wait3A_39 = arith.constant 0 : i32
      %dma_wait3A_40 = tpu.memref_slice %arg4[%add3A_10, %dma_wait3A_39] : memref<16384x768xf32, #tpu.memory_space<hbm>> -> memref<128x768xf32, #tpu.memory_space<hbm>>
      tpu.wait_dma2 semaphore(%run_scoped3A : memref<!tpu.dma_semaphore, #tpu.memory_space<semaphore_mem>>) src(%arg6 : memref<128x768xf32, #tpu.memory_space<vmem>>) dst(%dma_wait3A_40 : memref<128x768xf32, #tpu.memory_space<hbm>>)
      tpu.yield
    }) : () -> ()
    %add3A_17 = arith.constant 256 : i32
    %add3A_18 = arith.addi %mul3A_2, %add3A_17 : i32
    "tpu.region"() ({
      %run_scoped3A = tpu.sem_alloc : memref<!tpu.dma_semaphore, #tpu.memory_space<semaphore_mem>>
      %dma_start3A_33 = tpu.memref_slice %arg3[%add3A_18] : memref<16384xi32, #tpu.memory_space<hbm>> -> memref<128xi32, #tpu.memory_space<hbm>>
      %dma_start3A_34 = tpu.memref_slice %arg3[%add3A_18] : memref<16384xi32, #tpu.memory_space<hbm>> -> memref<128xi32, #tpu.memory_space<hbm>>
      tpu.enqueue_dma source(%dma_start3A_34 : memref<128xi32, #tpu.memory_space<hbm>>) target(%arg5 : memref<128xi32, #tpu.memory_space<vmem>>) target_semaphore(%run_scoped3A : memref<!tpu.dma_semaphore, #tpu.memory_space<semaphore_mem>>)
      %dma_wait3A_35 = tpu.memref_slice %arg3[%add3A_18] : memref<16384xi32, #tpu.memory_space<hbm>> -> memref<128xi32, #tpu.memory_space<hbm>>
      %dma_wait3A_36 = tpu.memref_slice %arg3[%add3A_18] : memref<16384xi32, #tpu.memory_space<hbm>> -> memref<128xi32, #tpu.memory_space<hbm>>
      tpu.wait_dma2 semaphore(%run_scoped3A : memref<!tpu.dma_semaphore, #tpu.memory_space<semaphore_mem>>) src(%dma_wait3A_36 : memref<128xi32, #tpu.memory_space<hbm>>) dst(%arg5 : memref<128xi32, #tpu.memory_space<vmem>>)
      tpu.yield
    }) : () -> ()
    %dma_start3A_19 = arith.constant 0 : i32
    %dma_start3A_20 = arith.constant 0 : i32
    %dma_start3A_21 = tpu.memref_slice %arg2[%dma_start3A_19, %dma_start3A_20] : memref<8192x768xf32, #tpu.memory_space<hbm>> -> memref<8192x768xf32, #tpu.memory_space<hbm>>
    tpu.enqueue_indirect_dma source(%dma_start3A_21 : memref<8192x768xf32, #tpu.memory_space<hbm>>) target(%arg6 : memref<128x768xf32, #tpu.memory_space<vmem>>) offsets(%arg5 : memref<128xi32, #tpu.memory_space<vmem>>) semaphore(%arg7 : memref<!tpu.dma_semaphore, #tpu.memory_space<semaphore_mem>>)
    %dma_wait3A_22 = arith.constant 0 : i32
    %dma_wait3A_23 = arith.constant 0 : i32
    %dma_wait3A_24 = tpu.memref_slice %arg2[%dma_wait3A_22, %dma_wait3A_23] : memref<8192x768xf32, #tpu.memory_space<hbm>> -> memref<8192x768xf32, #tpu.memory_space<hbm>>
    tpu.wait_indirect_dma semaphore(%arg7 : memref<!tpu.dma_semaphore, #tpu.memory_space<semaphore_mem>>) src(%dma_wait3A_24 : memref<8192x768xf32, #tpu.memory_space<hbm>>) dst(%arg6 : memref<128x768xf32, #tpu.memory_space<vmem>>)
    "tpu.region"() ({
      %run_scoped3A = tpu.sem_alloc : memref<!tpu.dma_semaphore, #tpu.memory_space<semaphore_mem>>
      %dma_start3A_33 = arith.constant 0 : i32
      %dma_start3A_34 = tpu.memref_slice %arg4[%add3A_18, %dma_start3A_33] : memref<16384x768xf32, #tpu.memory_space<hbm>> -> memref<128x768xf32, #tpu.memory_space<hbm>>
      %dma_start3A_35 = arith.constant 0 : i32
      %dma_start3A_36 = tpu.memref_slice %arg4[%add3A_18, %dma_start3A_35] : memref<16384x768xf32, #tpu.memory_space<hbm>> -> memref<128x768xf32, #tpu.memory_space<hbm>>
      tpu.enqueue_dma source(%arg6 : memref<128x768xf32, #tpu.memory_space<vmem>>) target(%dma_start3A_36 : memref<128x768xf32, #tpu.memory_space<hbm>>) target_semaphore(%run_scoped3A : memref<!tpu.dma_semaphore, #tpu.memory_space<semaphore_mem>>)
      %dma_wait3A_37 = arith.constant 0 : i32
      %dma_wait3A_38 = tpu.memref_slice %arg4[%add3A_18, %dma_wait3A_37] : memref<16384x768xf32, #tpu.memory_space<hbm>> -> memref<128x768xf32, #tpu.memory_space<hbm>>
      %dma_wait3A_39 = arith.constant 0 : i32
      %dma_wait3A_40 = tpu.memref_slice %arg4[%add3A_18, %dma_wait3A_39] : memref<16384x768xf32, #tpu.memory_space<hbm>> -> memref<128x768xf32, #tpu.memory_space<hbm>>
      tpu.wait_dma2 semaphore(%run_scoped3A : memref<!tpu.dma_semaphore, #tpu.memory_space<semaphore_mem>>) src(%arg6 : memref<128x768xf32, #tpu.memory_space<vmem>>) dst(%dma_wait3A_40 : memref<128x768xf32, #tpu.memory_space<hbm>>)
      tpu.yield
    }) : () -> ()
    %add3A_25 = arith.constant 384 : i32
    %add3A_26 = arith.addi %mul3A_2, %add3A_25 : i32
    "tpu.region"() ({
      %run_scoped3A = tpu.sem_alloc : memref<!tpu.dma_semaphore, #tpu.memory_space<semaphore_mem>>
      %dma_start3A_33 = tpu.memref_slice %arg3[%add3A_26] : memref<16384xi32, #tpu.memory_space<hbm>> -> memref<128xi32, #tpu.memory_space<hbm>>
      %dma_start3A_34 = tpu.memref_slice %arg3[%add3A_26] : memref<16384xi32, #tpu.memory_space<hbm>> -> memref<128xi32, #tpu.memory_space<hbm>>
      tpu.enqueue_dma source(%dma_start3A_34 : memref<128xi32, #tpu.memory_space<hbm>>) target(%arg5 : memref<128xi32, #tpu.memory_space<vmem>>) target_semaphore(%run_scoped3A : memref<!tpu.dma_semaphore, #tpu.memory_space<semaphore_mem>>)
      %dma_wait3A_35 = tpu.memref_slice %arg3[%add3A_26] : memref<16384xi32, #tpu.memory_space<hbm>> -> memref<128xi32, #tpu.memory_space<hbm>>
      %dma_wait3A_36 = tpu.memref_slice %arg3[%add3A_26] : memref<16384xi32, #tpu.memory_space<hbm>> -> memref<128xi32, #tpu.memory_space<hbm>>
      tpu.wait_dma2 semaphore(%run_scoped3A : memref<!tpu.dma_semaphore, #tpu.memory_space<semaphore_mem>>) src(%dma_wait3A_36 : memref<128xi32, #tpu.memory_space<hbm>>) dst(%arg5 : memref<128xi32, #tpu.memory_space<vmem>>)
      tpu.yield
    }) : () -> ()
    %dma_start3A_27 = arith.constant 0 : i32
    %dma_start3A_28 = arith.constant 0 : i32
    %dma_start3A_29 = tpu.memref_slice %arg2[%dma_start3A_27, %dma_start3A_28] : memref<8192x768xf32, #tpu.memory_space<hbm>> -> memref<8192x768xf32, #tpu.memory_space<hbm>>
    tpu.enqueue_indirect_dma source(%dma_start3A_29 : memref<8192x768xf32, #tpu.memory_space<hbm>>) target(%arg6 : memref<128x768xf32, #tpu.memory_space<vmem>>) offsets(%arg5 : memref<128xi32, #tpu.memory_space<vmem>>) semaphore(%arg7 : memref<!tpu.dma_semaphore, #tpu.memory_space<semaphore_mem>>)
    %dma_wait3A_30 = arith.constant 0 : i32
    %dma_wait3A_31 = arith.constant 0 : i32
    %dma_wait3A_32 = tpu.memref_slice %arg2[%dma_wait3A_30, %dma_wait3A_31] : memref<8192x768xf32, #tpu.memory_space<hbm>> -> memref<8192x768xf32, #tpu.memory_space<hbm>>
    tpu.wait_indirect_dma semaphore(%arg7 : memref<!tpu.dma_semaphore, #tpu.memory_space<semaphore_mem>>) src(%dma_wait3A_32 : memref<8192x768xf32, #tpu.memory_space<hbm>>) dst(%arg6 : memref<128x768xf32, #tpu.memory_space<vmem>>)
    "tpu.region"() ({
      %run_scoped3A = tpu.sem_alloc : memref<!tpu.dma_semaphore, #tpu.memory_space<semaphore_mem>>
      %dma_start3A_33 = arith.constant 0 : i32
      %dma_start3A_34 = tpu.memref_slice %arg4[%add3A_26, %dma_start3A_33] : memref<16384x768xf32, #tpu.memory_space<hbm>> -> memref<128x768xf32, #tpu.memory_space<hbm>>
      %dma_start3A_35 = arith.constant 0 : i32
      %dma_start3A_36 = tpu.memref_slice %arg4[%add3A_26, %dma_start3A_35] : memref<16384x768xf32, #tpu.memory_space<hbm>> -> memref<128x768xf32, #tpu.memory_space<hbm>>
      tpu.enqueue_dma source(%arg6 : memref<128x768xf32, #tpu.memory_space<vmem>>) target(%dma_start3A_36 : memref<128x768xf32, #tpu.memory_space<hbm>>) target_semaphore(%run_scoped3A : memref<!tpu.dma_semaphore, #tpu.memory_space<semaphore_mem>>)
      %dma_wait3A_37 = arith.constant 0 : i32
      %dma_wait3A_38 = tpu.memref_slice %arg4[%add3A_26, %dma_wait3A_37] : memref<16384x768xf32, #tpu.memory_space<hbm>> -> memref<128x768xf32, #tpu.memory_space<hbm>>
      %dma_wait3A_39 = arith.constant 0 : i32
      %dma_wait3A_40 = tpu.memref_slice %arg4[%add3A_26, %dma_wait3A_39] : memref<16384x768xf32, #tpu.memory_space<hbm>> -> memref<128x768xf32, #tpu.memory_space<hbm>>
      tpu.wait_dma2 semaphore(%run_scoped3A : memref<!tpu.dma_semaphore, #tpu.memory_space<semaphore_mem>>) src(%arg6 : memref<128x768xf32, #tpu.memory_space<vmem>>) dst(%dma_wait3A_40 : memref<128x768xf32, #tpu.memory_space<hbm>>)
      tpu.yield
    }) : () -> ()
    return
  }
}

module attributes {stable_mosaic.version = 14 : i64} {
  func.func @_table_body(%arg0: i32, %arg1: memref<2048x256xf32, #tpu.memory_space<vmem>>, %arg2: memref<768x256xf32, #tpu.memory_space<vmem>>, %arg3: memref<1x768xf32, #tpu.memory_space<vmem>>, %arg4: memref<2048x768xf32, #tpu.memory_space<vmem>>) attributes {dimension_semantics = [#tpu.dimension_semantics<arbitrary>], iteration_bounds = array<i64: 4>, scalar_prefetch = 0 : i64, scratch_operands = 0 : i64, tpu.core_type = #tpu.core_type<tc>, window_params = [{transform_indices = @transform_0, window_bounds = array<i64: 2048, 256>}, {pipeline_mode = #tpu.pipeline_mode<synchronous>, transform_indices = @transform_1, window_bounds = array<i64: 768, 256>}, {pipeline_mode = #tpu.pipeline_mode<synchronous>, transform_indices = @transform_2, window_bounds = array<i64: 1, 768>}, {transform_indices = @transform_3, window_bounds = array<i64: 2048, 768>}]} {
    %get3A = arith.constant 0 : index
    %get3A_0 = arith.constant 0 : index
    %get3A_1 = vector.load %arg1[%get3A, %get3A_0] : memref<2048x256xf32, #tpu.memory_space<vmem>>, vector<2048x256xf32>
    %convert_element_type3A = arith.truncf %get3A_1 : vector<2048x256xf32> to vector<2048x256xbf16>
    %convert_element_type3A_2 = arith.extf %convert_element_type3A : vector<2048x256xbf16> to vector<2048x256xf32>
    %get3A_3 = arith.constant 0 : index
    %get3A_4 = arith.constant 0 : index
    %get3A_5 = vector.load %arg2[%get3A_3, %get3A_4] : memref<768x256xf32, #tpu.memory_space<vmem>>, vector<768x256xf32>
    %dot_general3A = arith.constant dense<0.000000e+00> : vector<2048x768xf32>
    %dot_general3A_6 = tpu.matmul %convert_element_type3A_2, %get3A_5, %dot_general3A {dimension_numbers = #tpu.dot_dimension_numbers<[1], [1], [0], [0], [0, 0, 1, 0], [], []>, transpose_lhs_hint = false} : vector<2048x256xf32>, vector<768x256xf32>, vector<2048x768xf32> -> vector<2048x768xf32>
    %get3A_7 = arith.constant 0 : index
    %get3A_8 = arith.constant 0 : index
    %get3A_9 = vector.load %arg3[%get3A_7, %get3A_8] : memref<1x768xf32, #tpu.memory_space<vmem>>, vector<1x768xf32>
    %add3A = vector.broadcast %get3A_9 : vector<1x768xf32> to vector<2048x768xf32>
    %add3A_10 = arith.addf %dot_general3A_6, %add3A : vector<2048x768xf32>
    %swap3A = arith.constant 0 : index
    %swap3A_11 = arith.constant 0 : index
    %swap3A_12 = vector.load %arg4[%swap3A, %swap3A_11] : memref<2048x768xf32, #tpu.memory_space<vmem>>, vector<2048x768xf32>
    tpu.vector_store %arg4[%swap3A, %swap3A_11], %add3A_10 {strides = array<i32>} : memref<2048x768xf32, #tpu.memory_space<vmem>>, vector<2048x768xf32>,
    return
  }
  func.func @transform_0(%arg0: i32) -> (i32, i32) {
    %c0_i32 = arith.constant 0 : i32
    %c0_i32_0 = arith.constant 0 : i32
    return %arg0, %c0_i32 : i32, i32
  }
  func.func @transform_1(%arg0: i32) -> (i32, i32) {
    %c0_i32 = arith.constant 0 : i32
    %c0_i32_0 = arith.constant 0 : i32
    %c0_i32_1 = arith.constant 0 : i32
    return %c0_i32, %c0_i32_0 : i32, i32
  }
  func.func @transform_2(%arg0: i32) -> (i32, i32) {
    %c0_i32 = arith.constant 0 : i32
    %c0_i32_0 = arith.constant 0 : i32
    %c0_i32_1 = arith.constant 0 : i32
    return %c0_i32, %c0_i32_0 : i32, i32
  }
  func.func @transform_3(%arg0: i32) -> (i32, i32) {
    %c0_i32 = arith.constant 0 : i32
    %c0_i32_0 = arith.constant 0 : i32
    return %arg0, %c0_i32 : i32, i32
  }
}

module attributes {stable_mosaic.version = 14 : i64} {
  func.func @_argmin_body(%arg0: i32, %arg1: i32, %arg2: memref<512x768xf32, #tpu.memory_space<vmem>>, %arg3: memref<256x768xf32, #tpu.memory_space<vmem>>, %arg4: memref<1x256xf32, #tpu.memory_space<vmem>>, %arg5: memref<2048x256xf32, #tpu.memory_space<vmem>>, %arg6: memref<512x1xi32, #tpu.memory_space<vmem>>, %arg7: memref<512x256xf32, #tpu.memory_space<vmem>>, %arg8: memref<512x1xf32, #tpu.memory_space<vmem>>, %arg9: memref<512x1xf32, #tpu.memory_space<vmem>>, %arg10: memref<512x1xi32, #tpu.memory_space<vmem>>) attributes {dimension_semantics = [#tpu.dimension_semantics<parallel>, #tpu.dimension_semantics<arbitrary>], iteration_bounds = array<i64: 32, 4>, scalar_prefetch = 0 : i64, scratch_operands = 4 : i64, tpu.core_type = #tpu.core_type<tc>, window_params = [{transform_indices = @transform_0, window_bounds = array<i64: 512, 768>}, {pipeline_mode = #tpu.pipeline_mode<synchronous>, transform_indices = @transform_1, window_bounds = array<i64: 256, 768>}, {pipeline_mode = #tpu.pipeline_mode<synchronous>, transform_indices = @transform_2, window_bounds = array<i64: 1, 256>}, {transform_indices = @transform_3, window_bounds = array<i64: 2048, 256>}, {transform_indices = @transform_4, window_bounds = array<i64: 512, 1>}]} {
    %eq3A = arith.constant 0 : i32
    %eq3A_0 = arith.cmpi eq, %arg1, %eq3A : i32
    %convert_element_type3A = arith.extui %eq3A_0 : i1 to i32
    %cond3A = arith.constant 0 : i32
    %cond3A_1 = arith.cmpi ne, %convert_element_type3A, %cond3A : i32
    scf.if %cond3A_1 {
      %get3A_44 = arith.constant 0 : index
      %get3A_45 = arith.constant 0 : index
      %get3A_46 = vector.load %arg2[%get3A_44, %get3A_45] : memref<512x768xf32, #tpu.memory_space<vmem>>, vector<512x256xf32>
      %convert_element_type3A_47 = arith.truncf %get3A_46 : vector<512x256xf32> to vector<512x256xbf16>
      %get3A_48 = arith.constant 0 : index
      %get3A_49 = arith.constant 0 : index
      %get3A_50 = vector.load %arg3[%get3A_48, %get3A_49] : memref<256x768xf32, #tpu.memory_space<vmem>>, vector<256x256xf32>
      %convert_element_type3A_51 = arith.truncf %get3A_50 : vector<256x256xf32> to vector<256x256xbf16>
      %dot_general3A_52 = arith.constant dense<0.000000e+00> : vector<512x256xf32>
      %dot_general3A_53 = tpu.matmul %convert_element_type3A_47, %convert_element_type3A_51, %dot_general3A_52 {dimension_numbers = #tpu.dot_dimension_numbers<[1], [1], [0], [0], [0, 0, 1, 0], [], []>, transpose_lhs_hint = false} : vector<512x256xbf16>, vector<256x256xbf16>, vector<512x256xf32> -> vector<512x256xf32>
      %get3A_54 = arith.constant 0 : index
      %get3A_55 = arith.constant 256 : index
      %get3A_56 = vector.load %arg2[%get3A_54, %get3A_55] : memref<512x768xf32, #tpu.memory_space<vmem>>, vector<512x256xf32>
      %convert_element_type3A_57 = arith.truncf %get3A_56 : vector<512x256xf32> to vector<512x256xbf16>
      %get3A_58 = arith.constant 0 : index
      %get3A_59 = arith.constant 256 : index
      %get3A_60 = vector.load %arg3[%get3A_58, %get3A_59] : memref<256x768xf32, #tpu.memory_space<vmem>>, vector<256x256xf32>
      %convert_element_type3A_61 = arith.truncf %get3A_60 : vector<256x256xf32> to vector<256x256xbf16>
      %dot_general3A_62 = arith.constant dense<0.000000e+00> : vector<512x256xf32>
      %dot_general3A_63 = tpu.matmul %convert_element_type3A_57, %convert_element_type3A_61, %dot_general3A_62 {dimension_numbers = #tpu.dot_dimension_numbers<[1], [1], [0], [0], [0, 0, 1, 0], [], []>, transpose_lhs_hint = false} : vector<512x256xbf16>, vector<256x256xbf16>, vector<512x256xf32> -> vector<512x256xf32>
      %add3A_64 = arith.addf %dot_general3A_53, %dot_general3A_63 : vector<512x256xf32>
      %get3A_65 = arith.constant 0 : index
      %get3A_66 = arith.constant 512 : index
      %get3A_67 = vector.load %arg2[%get3A_65, %get3A_66] : memref<512x768xf32, #tpu.memory_space<vmem>>, vector<512x256xf32>
      %convert_element_type3A_68 = arith.truncf %get3A_67 : vector<512x256xf32> to vector<512x256xbf16>
      %get3A_69 = arith.constant 0 : index
      %get3A_70 = arith.constant 512 : index
      %get3A_71 = vector.load %arg3[%get3A_69, %get3A_70] : memref<256x768xf32, #tpu.memory_space<vmem>>, vector<256x256xf32>
      %convert_element_type3A_72 = arith.truncf %get3A_71 : vector<256x256xf32> to vector<256x256xbf16>
      %dot_general3A_73 = arith.constant dense<0.000000e+00> : vector<512x256xf32>
      %dot_general3A_74 = tpu.matmul %convert_element_type3A_68, %convert_element_type3A_72, %dot_general3A_73 {dimension_numbers = #tpu.dot_dimension_numbers<[1], [1], [0], [0], [0, 0, 1, 0], [], []>, transpose_lhs_hint = false} : vector<512x256xbf16>, vector<256x256xbf16>, vector<512x256xf32> -> vector<512x256xf32>
      %add3A_75 = arith.addf %add3A_64, %dot_general3A_74 : vector<512x256xf32>
      %get3A_76 = arith.constant 0 : index
      %get3A_77 = arith.constant 0 : index
      %get3A_78 = vector.load %arg4[%get3A_76, %get3A_77] : memref<1x256xf32, #tpu.memory_space<vmem>>, vector<1x256xf32>
      %add3A_79 = vector.broadcast %get3A_78 : vector<1x256xf32> to vector<512x256xf32>
      %add3A_80 = arith.addf %add3A_75, %add3A_79 : vector<512x256xf32>
      %mul3A_81 = arith.mulf %add3A_80, %add3A_80 : vector<512x256xf32>
      %reduce_sum3A_82 = arith.constant dense<0.000000e+00> : vector<512xf32>
      %reduce_sum3A_83 = vector.multi_reduction <add>, %mul3A_81, %reduce_sum3A_82 [1] : vector<512x256xf32> to vector<512xf32>
      %broadcast_in_dim3A_84 = vector.shape_cast %reduce_sum3A_83 : vector<512xf32> to vector<512x1xf32>
      %swap3A_85 = arith.constant 0 : index
      %swap3A_86 = arith.constant 0 : index
      %swap3A_87 = vector.load %arg8[%swap3A_85, %swap3A_86] : memref<512x1xf32, #tpu.memory_space<vmem>>, vector<512x1xf32>
      tpu.vector_store %arg8[%swap3A_85, %swap3A_86], %broadcast_in_dim3A_84 {strides = array<i32>} : memref<512x1xf32, #tpu.memory_space<vmem>>, vector<512x1xf32>,
      %convert_element_type3A_88 = arith.truncf %add3A_80 : vector<512x256xf32> to vector<512x256xbf16>
      %convert_element_type3A_89 = arith.extf %convert_element_type3A_88 : vector<512x256xbf16> to vector<512x256xf32>
      %swap3A_90 = arith.constant 0 : index
      %swap3A_91 = arith.constant 0 : index
      %swap3A_92 = vector.load %arg7[%swap3A_90, %swap3A_91] : memref<512x256xf32, #tpu.memory_space<vmem>>, vector<512x256xf32>
      tpu.vector_store %arg7[%swap3A_90, %swap3A_91], %convert_element_type3A_89 {strides = array<i32>} : memref<512x256xf32, #tpu.memory_space<vmem>>, vector<512x256xf32>,
      %broadcast_in_dim3A_93 = arith.constant 0x7F800000 : f32
      %broadcast_in_dim3A_94 = vector.broadcast %broadcast_in_dim3A_93 : f32 to vector<512x1xf32>
      %swap3A_95 = arith.constant 0 : index
      %swap3A_96 = arith.constant 0 : index
      %swap3A_97 = vector.load %arg9[%swap3A_95, %swap3A_96] : memref<512x1xf32, #tpu.memory_space<vmem>>, vector<512x1xf32>
      tpu.vector_store %arg9[%swap3A_95, %swap3A_96], %broadcast_in_dim3A_94 {strides = array<i32>} : memref<512x1xf32, #tpu.memory_space<vmem>>, vector<512x1xf32>,
      %broadcast_in_dim3A_98 = arith.constant 0 : i32
      %broadcast_in_dim3A_99 = vector.broadcast %broadcast_in_dim3A_98 : i32 to vector<512x1xi32>
      %swap3A_100 = arith.constant 0 : index
      %swap3A_101 = arith.constant 0 : index
      %swap3A_102 = vector.load %arg10[%swap3A_100, %swap3A_101] : memref<512x1xi32, #tpu.memory_space<vmem>>, vector<512x1xi32>
      tpu.vector_store %arg10[%swap3A_100, %swap3A_101], %broadcast_in_dim3A_99 {strides = array<i32>} : memref<512x1xi32, #tpu.memory_space<vmem>>, vector<512x1xi32>,
    } else {
    }
    %get3A = arith.constant 0 : index
    %get3A_2 = arith.constant 0 : index
    %get3A_3 = vector.load %arg5[%get3A, %get3A_2] : memref<2048x256xf32, #tpu.memory_space<vmem>>, vector<2048x256xf32>
    %get3A_4 = arith.constant 0 : index
    %get3A_5 = arith.constant 0 : index
    %get3A_6 = vector.load %arg7[%get3A_4, %get3A_5] : memref<512x256xf32, #tpu.memory_space<vmem>>, vector<512x256xf32>
    %dot_general3A = arith.constant dense<0.000000e+00> : vector<512x2048xf32>
    %dot_general3A_7 = tpu.matmul %get3A_6, %get3A_3, %dot_general3A {dimension_numbers = #tpu.dot_dimension_numbers<[1], [1], [0], [0], [0, 0, 1, 0], [], []>, transpose_lhs_hint = false} : vector<512x256xf32>, vector<2048x256xf32>, vector<512x2048xf32> -> vector<512x2048xf32>
    %mul3A = arith.mulf %get3A_3, %get3A_3 : vector<2048x256xf32>
    %reduce_sum3A = arith.constant dense<0.000000e+00> : vector<2048xf32>
    %reduce_sum3A_8 = vector.multi_reduction <add>, %mul3A, %reduce_sum3A [1] : vector<2048x256xf32> to vector<2048xf32>
    %broadcast_in_dim3A = vector.shape_cast %reduce_sum3A_8 : vector<2048xf32> to vector<1x2048xf32>
    %get3A_9 = arith.constant 0 : index
    %get3A_10 = arith.constant 0 : index
    %get3A_11 = vector.load %arg8[%get3A_9, %get3A_10] : memref<512x1xf32, #tpu.memory_space<vmem>>, vector<512x1xf32>
    %add3A = vector.broadcast %get3A_11 : vector<512x1xf32> to vector<512x2048xf32>
    %add3A_12 = vector.broadcast %broadcast_in_dim3A : vector<1x2048xf32> to vector<512x2048xf32>
    %add3A_13 = arith.addf %add3A, %add3A_12 : vector<512x2048xf32>
    %mul3A_14 = arith.constant 2.000000e+00 : f32
    %mul3A_15 = vector.broadcast %mul3A_14 : f32 to vector<512x2048xf32>
    %mul3A_16 = arith.mulf %mul3A_15, %dot_general3A_7 : vector<512x2048xf32>
    %sub3A = arith.subf %add3A_13, %mul3A_16 : vector<512x2048xf32>
    %reduce_min3A = arith.constant dense<0x7F800000> : vector<512xf32>
    %reduce_min3A_17 = vector.multi_reduction <minimumf>, %sub3A, %reduce_min3A [1] : vector<512x2048xf32> to vector<512xf32>
    %broadcast_in_dim3A_18 = vector.shape_cast %reduce_min3A_17 : vector<512xf32> to vector<512x1xf32>
    %argmin3A = tpu.reduce_index %sub3A {axis = 1 : i32, kind = #tpu.reduction_kind<arg_min>} : vector<512x2048xf32> -> vector<512xi32>
    %broadcast_in_dim3A_19 = vector.shape_cast %argmin3A : vector<512xi32> to vector<512x1xi32>
    %mul3A_20 = arith.constant 2048 : i32
    %mul3A_21 = arith.muli %arg1, %mul3A_20 : i32
    %add3A_22 = vector.broadcast %mul3A_21 : i32 to vector<512x1xi32>
    %add3A_23 = arith.addi %broadcast_in_dim3A_19, %add3A_22 : vector<512x1xi32>
    %get3A_24 = arith.constant 0 : index
    %get3A_25 = arith.constant 0 : index
    %get3A_26 = vector.load %arg9[%get3A_24, %get3A_25] : memref<512x1xf32, #tpu.memory_space<vmem>>, vector<512x1xf32>
    %lt3A = arith.cmpf olt, %broadcast_in_dim3A_18, %get3A_26 : vector<512x1xf32>
    %get3A_27 = arith.constant 0 : index
    %get3A_28 = arith.constant 0 : index
    %get3A_29 = vector.load %arg9[%get3A_27, %get3A_28] : memref<512x1xf32, #tpu.memory_space<vmem>>, vector<512x1xf32>
    %select_n3A = arith.select %lt3A, %broadcast_in_dim3A_18, %get3A_29 : vector<512x1xi1>, vector<512x1xf32>
    %swap3A = arith.constant 0 : index
    %swap3A_30 = arith.constant 0 : index
    %swap3A_31 = vector.load %arg9[%swap3A, %swap3A_30] : memref<512x1xf32, #tpu.memory_space<vmem>>, vector<512x1xf32>
    tpu.vector_store %arg9[%swap3A, %swap3A_30], %select_n3A {strides = array<i32>} : memref<512x1xf32, #tpu.memory_space<vmem>>, vector<512x1xf32>,
    %get3A_32 = arith.constant 0 : index
    %get3A_33 = arith.constant 0 : index
    %get3A_34 = vector.load %arg10[%get3A_32, %get3A_33] : memref<512x1xi32, #tpu.memory_space<vmem>>, vector<512x1xi32>
    %select_n3A_35 = arith.select %lt3A, %add3A_23, %get3A_34 : vector<512x1xi1>, vector<512x1xi32>
    %swap3A_36 = arith.constant 0 : index
    %swap3A_37 = arith.constant 0 : index
    %swap3A_38 = vector.load %arg10[%swap3A_36, %swap3A_37] : memref<512x1xi32, #tpu.memory_space<vmem>>, vector<512x1xi32>
    tpu.vector_store %arg10[%swap3A_36, %swap3A_37], %select_n3A_35 {strides = array<i32>} : memref<512x1xi32, #tpu.memory_space<vmem>>, vector<512x1xi32>,
    %eq3A_39 = arith.constant 3 : i32
    %eq3A_40 = arith.cmpi eq, %arg1, %eq3A_39 : i32
    %convert_element_type3A_41 = arith.extui %eq3A_40 : i1 to i32
    %cond3A_42 = arith.constant 0 : i32
    %cond3A_43 = arith.cmpi ne, %convert_element_type3A_41, %cond3A_42 : i32
    scf.if %cond3A_43 {
      %get3A_44 = arith.constant 0 : index
      %get3A_45 = arith.constant 0 : index
      %get3A_46 = vector.load %arg10[%get3A_44, %get3A_45] : memref<512x1xi32, #tpu.memory_space<vmem>>, vector<512x1xi32>
      %swap3A_47 = arith.constant 0 : index
      %swap3A_48 = arith.constant 0 : index
      %swap3A_49 = vector.load %arg6[%swap3A_47, %swap3A_48] : memref<512x1xi32, #tpu.memory_space<vmem>>, vector<512x1xi32>
      tpu.vector_store %arg6[%swap3A_47, %swap3A_48], %get3A_46 {strides = array<i32>} : memref<512x1xi32, #tpu.memory_space<vmem>>, vector<512x1xi32>,
    } else {
    }
    return
  }
  func.func @transform_0(%arg0: i32, %arg1: i32) -> (i32, i32) {
    %c0_i32 = arith.constant 0 : i32
    %c0_i32_0 = arith.constant 0 : i32
    return %arg0, %c0_i32 : i32, i32
  }
  func.func @transform_1(%arg0: i32, %arg1: i32) -> (i32, i32) {
    %c0_i32 = arith.constant 0 : i32
    %c0_i32_0 = arith.constant 0 : i32
    %c0_i32_1 = arith.constant 0 : i32
    return %c0_i32, %c0_i32_0 : i32, i32
  }
  func.func @transform_2(%arg0: i32, %arg1: i32) -> (i32, i32) {
    %c0_i32 = arith.constant 0 : i32
    %c0_i32_0 = arith.constant 0 : i32
    %c0_i32_1 = arith.constant 0 : i32
    return %c0_i32, %c0_i32_0 : i32, i32
  }
  func.func @transform_3(%arg0: i32, %arg1: i32) -> (i32, i32) {
    %c0_i32 = arith.constant 0 : i32
    %c0_i32_0 = arith.constant 0 : i32
    return %arg1, %c0_i32 : i32, i32
  }
  func.func @transform_4(%arg0: i32, %arg1: i32) -> (i32, i32) {
    %c0_i32 = arith.constant 0 : i32
    %c0_i32_0 = arith.constant 0 : i32
    return %arg0, %c0_i32 : i32, i32
  }
}

</mosaic_0001>

<sc_bundles>
// kernel: kernel.5.cloned.1.call-start
scs
__scs_entry_jumppad:
0x0: {  	(pc) =	sbr.rel $0x88, $3  }
0x1: {  	(tag) =	ssettag $0x0;
	lr =	simm.s32 $0x1  }
0x2: {  	[smem:$0x3F9B] =	sst lr;
	_ =	strace $0xD0000000  }
0x3: {  	_ = 	snop  }
0x4: {  	_ = 	snop  }
0x5: {  	_ = 	snop  }
0x6: {  	_ = 	snop  }
0x7: {  	_ = 	snop  }
__scs_overlays_trampoline_lowered:
0x8: {  	[smem:$0x3FAA] =	sst s0  }
0x9: {  	[smem:$0x3FAB] =	sst s1  }
0xa: {  	[smem:$0x3FAC] =	sst s2  }
0xb: {  	[smem:$0x3FAD] =	sst s3  }
0xc: {  	[smem:$0x3FAE] =	sst s4  }
0xd: {  	[smem:$0x3FAF] =	sst s5  }
0xe: {  	[smem:$0x3FB0] =	sst s6  }
0xf: {  	[smem:$0x3FB1] =	sst s7  }
0x10: {  	[smem:$0x3FB2] =	sst s8  }
0x11: {  	[smem:$0x3FB3] =	sst s9;
	s0 =	simm.s32 @!p0 $0x0  }
0x12: {  	s1 =	sld [smem:$0x3F99];
	s0 =	simm.s32 @p0 $0x1  }
0x13: {  	[smem:$0x3FB4] =	sst s0;
	s0 =	simm.s32 @!p1 $0x0  }
0x14: {  	s2 =	sld [smem:$0x3F98];
	s0 =	simm.s32 @p1 $0x1  }
0x15: {  	[smem:$0x3FB5] =	sst s0;
	s0 =	simm.s32 @!p2 $0x0  }
0x16: {  	s3 =	sld [smem:$0x3FDB];
	s0 =	simm.s32 @p2 $0x1  }
0x17: {  	s4 =	simm.s32 $0x1BF5;
	[smem:$0x3FB7] =	sst s0  }
0x18: {  	s0 =	sld [smem:$0x3F9A];
	_ =	swait.ge [sflag:s4], $0x0  }
0x19: {  	s7 =	sld [smem:$0x3F9B]  }
0x1a: {  	s8 =	sadd.s32 $0xFFFFE003, lr  }
0x1b: {  	s9 =	sadd.s32 $0xFFFFFEF7, lr;
	s5 =	simm.s32 $0xFFFFFFFF;
	p2 =	slt.u32 s8, $0xFFFFF086  }
0x1c: {  	p1 =	slt.u32 s9, $0xF7A;
	s5 =	simm.s32 @!p2 $0x0  }
0x1d: {  	s5 =	simm.s32 @p1 $0x1;
	p0 =	seq.s32 s7, s2  }
0x1e: {  	s7 =	smul.u32 @!p0 $0xF7A, s2;
	p2 =	seq.s32 @!p0 s5, $0x0  }
0x1f: {  	s9 =	smul.u32 $0xF7A, s1;
	s8 =	simm.s32 @!p0 $0x1BF5;
	p2 =	por !p2, p0  }
0x20: {  	[sflag:s8] =	ssyncset.s32 @!p0 $0xFFFFF086;
	s6 =	sadd.s32 @!p0 s3, s7;
	s7 =	simm.s32 @!p0 $0x108  }
0x21: {  	s3 =	sadd.s32 s3, s9;
	s6 =	sadd.s32 @!p0 $0x88, s6;
	s7 =	simm.s32 @p2 $0x1082  }
0x22: {  	[simem:s7], [sflag:s8] =	dma.local @!p0 [hbm:s6], $0xF7A  }
0x23: {  	s9 =	sor.u32 $0xD0000000, s2;
	s6 =	simm.s32 $0x108;
	_ =	swait.ge @!p0 [sflag:s8], $0x0  }
0x24: {  	s3 =	sadd.s32 $0x88, s3;
	s6 =	simm.s32 @!p1 $0x1082;
	[sflag:s4] =	ssyncset.s32 $0xFFFFF086  }
0x25: {  	[simem:s6], [sflag:s4] =	dma.local [hbm:s3], $0xF7A  }
0x26: {  	[smem:$0x3F9B] =	sst s1;
	(tag) =	ssettag s2;
	_ =	strace s9  }
0x27: {  	s1 =	sld [smem:$0x3FAB]  }
0x28: {  	s2 =	sld [smem:$0x3FAC]  }
0x29: {  	s4 =	sld [smem:$0x3FAE]  }
0x2a: {  	p0 =	seq.s32 s5, $0x0;
	s5 =	sld [smem:$0x3FAF]  }
0x2b: {  	s6 =	sld [smem:$0x3FB0]  }
0x2c: {  	s7 =	sld [smem:$0x3FB1]  }
0x2d: {  	s3 =	simm.s32 $0x108;
	s8 =	sld [smem:$0x3FB2]  }
0x2e: {  	s3 =	simm.s32 @!p0 $0x1082;
	s9 =	sld [smem:$0x3FB3]  }
0x2f: {  	lr =	sadd.s32 s0, s3;
	s0 =	sld [smem:$0x3FAA]  }
0x30: {  	s3 =	sld [smem:$0x3FAD]  }
0x31: {  	[smem:$0x3FB6] =	sst s10  }
0x32: {  	s10 =	sld [smem:$0x3FB4];
	_ =	sdelay $0x3  }
0x33: {  	p0 =	seq.s32 s10, $0x1;
	s10 =	sld [smem:$0x3FB6];
	_ =	sdelay $0x3  }
0x34: {  	[smem:$0x3FB6] =	sst s10  }
0x35: {  	s10 =	sld [smem:$0x3FB5];
	_ =	sdelay $0x3  }
0x36: {  	p1 =	seq.s32 s10, $0x1;
	s10 =	sld [smem:$0x3FB6];
	_ =	sdelay $0x3  }
0x37: {  	[smem:$0x3FB6] =	sst s10  }
0x38: {  	s10 =	sld [smem:$0x3FB7]  }
0x39: {  	_ = 	snop;
	(pc) =	sbr.ind lr, $3  }
0x3a: {  	_ = 	snop  }
0x3b: {  	_ = 	snop  }
0x3c: {  	p2 =	seq.s32 s10, $0x1;
	s10 =	sld [smem:$0x3FB6]  }
0x3d: {  	_ =	shalt  }
0x3e: {  	_ =	shalt  }
0x3f: {  	_ =	shalt  }
0x40: {  	_ =	shalt  }
0x41: {  	_ =	shalt  }
0x42: {  	_ =	shalt  }
0x43: {  	_ =	shalt  }
0x44: {  	_ =	shalt  }
0x45: {  	_ =	shalt  }
0x46: {  	_ =	shalt  }
0x47: {  	_ =	shalt  }
0x48: {  	_ =	shalt  }
0x49: {  	_ =	shalt  }
0x4a: {  	_ =	shalt  }
0x4b: {  	_ =	shalt  }
0x4c: {  	_ =	shalt  }
0x4d: {  	_ =	shalt  }
0x4e: {  	_ =	shalt  }
0x4f: {  	_ =	shalt  }
0x50: {  	_ =	shalt  }
0x51: {  	_ =	shalt  }
0x52: {  	_ =	shalt  }
0x53: {  	_ =	shalt  }
0x54: {  	_ =	shalt  }
0x55: {  	_ =	shalt  }
0x56: {  	_ =	shalt  }
0x57: {  	_ =	shalt  }
0x58: {  	_ =	shalt  }
0x59: {  	_ =	shalt  }
0x5a: {  	_ =	shalt  }
0x5b: {  	_ =	shalt  }
0x5c: {  	_ =	shalt  }
0x5d: {  	_ =	shalt  }
0x5e: {  	_ =	shalt  }
0x5f: {  	_ =	shalt  }
0x60: {  	_ =	shalt  }
0x61: {  	_ =	shalt  }
0x62: {  	_ =	shalt  }
0x63: {  	_ =	shalt  }
0x64: {  	_ =	shalt  }
0x65: {  	_ =	shalt  }
0x66: {  	_ =	shalt  }
0x67: {  	_ =	shalt  }
0x68: {  	_ =	shalt  }
0x69: {  	_ =	shalt  }
0x6a: {  	_ =	shalt  }
0x6b: {  	_ =	shalt  }
0x6c: {  	_ =	shalt  }
0x6d: {  	_ =	shalt  }
0x6e: {  	_ =	shalt  }
0x6f: {  	_ =	shalt  }
0x70: {  	_ =	shalt  }
0x71: {  	_ =	shalt  }
0x72: {  	_ =	shalt  }
0x73: {  	_ =	shalt  }
0x74: {  	_ =	shalt  }
0x75: {  	_ =	shalt  }
0x76: {  	_ =	shalt  }
0x77: {  	_ =	shalt  }
0x78: {  	_ =	shalt  }
0x79: {  	_ =	shalt  }
0x7a: {  	_ =	shalt  }
0x7b: {  	_ =	shalt  }
0x7c: {  	_ =	shalt  }
0x7d: {  	_ =	shalt  }
0x7e: {  	_ =	shalt  }
0x7f: {  	_ =	shalt  }
0x80: {  	_ =	shalt  }
0x81: {  	_ =	shalt  }
0x82: {  	_ =	shalt  }
0x83: {  	_ =	shalt  }
0x84: {  	_ =	shalt  }
0x85: {  	_ =	shalt  }
0x86: {  	_ =	shalt  }
0x87: {  	_ =	shalt  }
.Lfunc_end0:
.L_simem_size_0:
called_computation_lowered:
.L_overlay_start_0:
0x88: {  	s2 =	sld [smem:$0x3FD9]  }
0x89: {  	s3 =	sld [smem:$0x3FFE];
	_ =	sdelay $0x1  }
0x8a: {  	s1 =	srdreg.scid  }
0x8b: {  	s0 =	sand.u32 $0x1, s1  }
0x8c: {  	s17 =	sshll.u32 s0, $0xA;
	s2 =	sadd.s32 s3, s2  }
0x8d: {  	s2 =	sadd.s32 s2, s17  }
0x8e: {  	[smem:$0x3FC2] =	sst s2  }
0x8f: {  	_ = 	snop  }
0x90: {  	s2 =	sld [smem:$0x3FD0];
	(tm) =	ssettm $0x1  }
0x91: {  	s18 =	sld [smem:$0x3FFB];
	_ =	sdelay $0x3  }
0x92: {  	_ =	strace s18  }
0x93: {  	s3 =	sld [smem:$0x3FFC];
	_ =	sdelay $0x3  }
0x94: {  	_ =	strace s3  }
0x95: {  	s3 =	sld [smem:$0x3FFD];
	_ =	sdelay $0x3  }
0x96: {  	_ =	strace s3  }
0x97: {  	_ =	strace $0x8FFFFFFF  }
0x98: {  	s19 =	sld [smem:$0x3FDB];
	_ =	sdelay $0x1  }
0x99: {  	s4 =	simm.s32 $_scs_section_size  }
0x9a: {  	s5 =	simm.s32 $_size__tile_overlayer_lowered;
	s6 =	simm.s32 $_tile_overlayer_lowered  }
0x9b: {  	s22 =	simm.s32 $0x1BFF;
	s21 =	sshll.u32 s6, $0x1;
	s3 =	sadd.s32 s4, s19  }
0x9c: {  	s7 =	simm.s32 $0x0;
	s20 =	sshll.u32 s5, $0x1;
	s5 =	sadd.s32 s21, s3  }
0x9d: {  	[timem:s7], [sflag:s22] =	dma.local [hbm:s5], s20  }
0x9e: {  	_ =	swait.ge [sflag:s22], s20  }
0x9f: {  	s4 =	ssub.s32 $0x0, s20;
	[sflag:s22] =	ssyncset.done $0x0  }
0xa0: {  	[sflag:s22] =	ssyncadd.s32 s4;
	_ =	sdelay $0x1  }
0xa1: {  	s23 =	simm.s32 $0x1B8B  }
0xa2: {  	_ =	swait.ge [sflag:s23], $0x1  }
0xa3: {  	[sflag:s23] =	ssyncset.done $0x0  }
0xa4: {  	s25 =	simm.s32 $0x1B8E;
	s24 =	sld [smem:$0x3FFE];
	[sflag:s23] =	ssyncadd.s32 $0xFFFFFFFF  }
0xa5: {  	s26 =	simm.s32 $execute0_lowered;
	[smem:$0x3FD2] =	sst s25  }
0xa6: {  	s5 =	sshll.u32 s26, $0x1;
	_ =	strace $0x80000046;
	[dreg:$0x1] =	wrdreg $0xFFFFFFFF  }
0xa7: {  	s28 =	simm.s32 $_size_execute0_lowered;
	s3 =	sadd.s32 s3, s5;
	[dreg:$0x0] =	wrdreg $0x0  }
0xa8: {  	s5 =	sshll.u32 s28, $0x1;
	[dreg:$0x2] =	wrdreg s3  }
0xa9: {  	[dreg:$0x3] =	wrdreg s5  }
0xaa: {  	[dreg:$0x4] =	wrdreg $0xC0  }
0xab: {  	_ =	task [dreg:s7], $0x5FFFF  }
0xac: {  	[dreg:$0x1] =	wrdreg $0xFFFFFFFF  }
0xad: {  	[dreg:$0x0] =	wrdreg $0x60  }
0xae: {  	[dreg:$0x2] =	wrdreg s24  }
0xaf: {  	[dreg:$0x3] =	wrdreg s2  }
0xb0: {  	[dreg:$0x4] =	wrdreg $0x9  }
0xb1: {  	_ =	task.clear_ibuf [dreg:s7], $0x5FFFF;
	_ =	strace $0x90000046  }
0xb2: {  	s29 =	simm.s32 $0x9;
	_ =	strace $0x80000048  }
0xb3: {  	_ =	swait.ge [sflag:s29], $0x1  }
0xb4: {  	[sflag:s29] =	ssyncadd.s32 $0xFFFFFFFF  }
0xb5: {  	_ =	strace $0x90000048  }
0xb6: {  	_ =	sfence  }
0xb7: {  	s30 =	sld [smem:$0x0];
	_ =	sdelay $0x2  }
0xb8: {  	s31 =	sshll.u32 s1, $0xD;
	s1 =	sshrl.u32 s1, $0x2  }
0xb9: {  	s3 =	sand.u32 $0x4000, s31;
	s1 =	sadd.s32 s1, s30  }
0xba: {  	s0 =	sor.u32 s3, s0;
	s1 =	sshll.u32 s1, $0x11  }
0xbb: {  	s0 =	sor.u32 s1, s0  }
0xbc: {  	s0 =	sadd.s32 $0x8F2B, s0  }
0xbd: {  	[sflag:s0] =	ssyncadd.remote.s32 $0x1  }
0xbe: {  	_ =	sfence.sel $0xFFFF  }
0xbf: {  	[dreg:$0x0] =	wrdreg $0xFFFFFFFF;
	(pc) =	sbr.abs _section_cstart, $3  }
0xc0: {  	[dreg:$0x1] =	wrdreg $0xFFFFFFFF  }
0xc1: {  	_ =	task.clear_ibuf [dreg:s7], $0x2FFFF;
	_ =	strace $0x9FFFFFFF  }
0xc2: {  	(tm) =	ssettm $0x7FFFFFFF  }
0xc3: {  	_ =	shalt  }
tec
execute0_lowered:
.L_overlay_start_1:
0x0: {  	(tag) =	ssettag $0x1  }
0x1: {  	s0 =	rddreg [dreg:$0x0]  }
0x2: {  	s1 =	rddreg [dreg:$0x1];
	s3 =	srdreg.scid  }
0x3: {  	s2 =	simm.s32 $0x0;
	s5 =	stileid.u32;
	s28 =	simm.s32 $0x80  }
0x4: {  	s4 =	sand.u32 $0x1, s3;
	[smem:$0x7FF] =	sst s2;
	s18 =	sshll.u32 s5, $0x7  }
0x5: {  	s3 =	sadd.s32 $0x1000, s0;
	s6 =	sadd.s32 $0x800, s0;
	s19 =	sshll.u32 s4, $0x6  }
0x6: {  	_ =	strace $0x80000047;
	s4 =	ssub.s32 $0x2, s4;
	s5 =	sor.u32 s19, s18  }
0x7: {  	s30 =	sshrl.u32 s4, $0x1;
	s7 =	smul.u32 $0x300, s5;
	s8 =	sadd.s32 s6, s5  }
0x8: {  	s9 =	sor.u32 $0x10, s5;
	s22 =	sor.u32 $0x20, s5;
	s5 =	sor.u32 $0x30, s5  }
0x9: {  	s31 =	ssub.s32 s4, s30;
	[dreg:$0x3] =	wrdreg s8;
	s21 =	sadd.s32 s6, s9  }
0xa: {  	s20 =	smul.u32 $0x300, s9;
	s25 =	sadd.s32 s6, s22;
	[dreg:$0x5] =	wrdreg s21  }
0xb: {  	s29 =	smul.u32 $0x300, s5;
	s5 =	sadd.s32 s6, s5;
	[dreg:$0x7] =	wrdreg s25  }
0xc: {  	s24 =	smul.u32 $0x300, s22;
	s7 =	sadd.s32 s1, s7;
	[dreg:$0x9] =	wrdreg s5  }
0xd: {  	s4 =	sadd.s32 $0x1100, s0;
	[dreg:$0x4] =	wrdreg s7;
	s23 =	sadd.s32 s1, s20  }
0xe: {  	v2 =	vlaneseq.u32;
	s6 =	smax.u32 s31, $0x1;
	s26 =	sadd.s32 s1, s24;
	[dreg:$0x6] =	wrdreg s23  }
0xf: {  	vm0 =	vmmov $0xffff;
	v1 =	vshrl.u32 v2, $0x3;
	s5 =	sadd.s32 $0x1200, s0;
	s1 =	sadd.s32 s1, s29;
	[dreg:$0x8] =	wrdreg s26  }
0x10: {  	v0 =	vand.u32 $0x7, v2;
	v2 =	vor.u32 $0x8, v2;
	v1 =	vmul.u32 $0x8, v1;
	s7 =	simm.s32 $0x2;
	[dreg:$0xa] =	wrdreg s1;
	s1 =	simm.s32 $0x1  }
.LBB2_1:
0x11: {  	s9 =	rddreg [dreg:$0x3]  }
0x12: {  	[tilespmem:s2], [sflag:$0x2] =	stream.linear.gather [hbm4b:s9+s2], $0x80, $0x38;
	[tilespmem:$0x18080] =	vst v63  }
0x13: {  	_ =	swait.ge [sflag:s7], $0x80  }
0x14: {  	[sflag:s7] =	ssyncset.done $0x0  }
0x15: {  	[sflag:s7] =	ssyncadd.s32 $0xFFFFFF80  }
0x16: {  	v3 =	vld [tilespmem:$0x0];
	_ =	sdelay $0x4  }
0x17: {  	v4 =	vshrl.u32 v3, $0x3  }
0x18: {  	v4 =	vmul.u32 $0x30, v4  }
0x19: {  	v3 =	vand.u32 $0x7, v3  }
0x1a: {  	v3 =	vor.u32 v3, v4  }
0x1b: {  	v4 =	vperm.xlane v3, v0;
	_ =	sdelay $0x1  }
0x1c: {  	v4 =	vadd.s32 v1, v4;
	_ =	sdelay $0x3  }
0x1d: {  	v3 =	vperm.xlane v3, v2  }
0x1e: {  	[tilespmem:s28], [sflag:$0x1] =	stream.indirect_vreg.gather [hbm4b:s3+s2], $0x80, v4, vm0, $0xb8;
	[tilespmem:$0x18080] =	vst v63  }
0x1f: {  	s0 =	simm.s32 $0x880;
	v3 =	vadd.s32 v1, v3  }
0x20: {  	[tilespmem:s0], [sflag:$0x1] =	stream.indirect_vreg.gather [hbm4b:s4+s2], $0x80, v4, vm0, $0xb8;
	[tilespmem:$0x18080] =	vst v63  }
0x21: {  	s15 =	simm.s32 $0x1080  }
0x22: {  	[tilespmem:s15], [sflag:$0x1] =	stream.indirect_vreg.gather [hbm4b:s5+s2], $0x80, v4, vm0, $0xb8;
	[tilespmem:$0x18080] =	vst v63  }
0x23: {  	s16 =	simm.s32 $0x1880  }
0x24: {  	[tilespmem:s16], [sflag:$0x1] =	stream.indirect_vreg.gather [hbm4b:s3+s2], $0x80, v3, vm0, $0xb8;
	[tilespmem:$0x18080] =	vst v63  }
0x25: {  	s17 =	simm.s32 $0x2080  }
0x26: {  	[tilespmem:s17], [sflag:$0x1] =	stream.indirect_vreg.gather [hbm4b:s4+s2], $0x80, v3, vm0, $0xb8;
	[tilespmem:$0x18080] =	vst v63  }
0x27: {  	s18 =	simm.s32 $0x2880  }
0x28: {  	[tilespmem:s18], [sflag:$0x1] =	stream.indirect_vreg.gather [hbm4b:s5+s2], $0x80, v3, vm0, $0xb8;
	[tilespmem:$0x18080] =	vst v63  }
0x29: {  	v3 =	vld [tilespmem:$0x10];
	_ =	sdelay $0x4  }
0x2a: {  	v33 =	vshrl.u32 v3, $0x3  }
0x2b: {  	v4 =	vmul.u32 $0x30, v33  }
0x2c: {  	v3 =	vand.u32 $0x7, v3  }
0x2d: {  	v3 =	vor.u32 v3, v4  }
0x2e: {  	v4 =	vperm.xlane v3, v0;
	_ =	sdelay $0x1  }
0x2f: {  	v4 =	vadd.s32 v1, v4;
	_ =	sdelay $0x3  }
0x30: {  	s19 =	simm.s32 $0x3080;
	v3 =	vperm.xlane v3, v2  }
0x31: {  	[tilespmem:s19], [sflag:$0x1] =	stream.indirect_vreg.gather [hbm4b:s3+s2], $0x80, v4, vm0, $0xb8;
	[tilespmem:$0x18080] =	vst v63  }
0x32: {  	s20 =	simm.s32 $0x3880;
	v3 =	vadd.s32 v1, v3  }
0x33: {  	[tilespmem:s20], [sflag:$0x1] =	stream.indirect_vreg.gather [hbm4b:s4+s2], $0x80, v4, vm0, $0xb8;
	[tilespmem:$0x18080] =	vst v63  }
0x34: {  	s21 =	simm.s32 $0x4080  }
0x35: {  	[tilespmem:s21], [sflag:$0x1] =	stream.indirect_vreg.gather [hbm4b:s5+s2], $0x80, v4, vm0, $0xb8;
	[tilespmem:$0x18080] =	vst v63  }
0x36: {  	s22 =	simm.s32 $0x4880  }
0x37: {  	[tilespmem:s22], [sflag:$0x1] =	stream.indirect_vreg.gather [hbm4b:s3+s2], $0x80, v3, vm0, $0xb8;
	[tilespmem:$0x18080] =	vst v63  }
0x38: {  	s23 =	simm.s32 $0x5080  }
0x39: {  	[tilespmem:s23], [sflag:$0x1] =	stream.indirect_vreg.gather [hbm4b:s4+s2], $0x80, v3, vm0, $0xb8;
	[tilespmem:$0x18080] =	vst v63  }
0x3a: {  	s24 =	simm.s32 $0x5880  }
0x3b: {  	[tilespmem:s24], [sflag:$0x1] =	stream.indirect_vreg.gather [hbm4b:s5+s2], $0x80, v3, vm0, $0xb8;
	[tilespmem:$0x18080] =	vst v63  }
0x3c: {  	v3 =	vld [tilespmem:$0x20];
	_ =	sdelay $0x4  }
0x3d: {  	v34 =	vshrl.u32 v3, $0x3  }
0x3e: {  	v4 =	vmul.u32 $0x30, v34  }
0x3f: {  	v3 =	vand.u32 $0x7, v3  }
0x40: {  	v3 =	vor.u32 v3, v4  }
0x41: {  	v4 =	vperm.xlane v3, v0;
	_ =	sdelay $0x1  }
0x42: {  	v4 =	vadd.s32 v1, v4;
	_ =	sdelay $0x3  }
0x43: {  	s25 =	simm.s32 $0x6080;
	v3 =	vperm.xlane v3, v2  }
0x44: {  	[tilespmem:s25], [sflag:$0x1] =	stream.indirect_vreg.gather [hbm4b:s3+s2], $0x80, v4, vm0, $0xb8;
	[tilespmem:$0x18080] =	vst v63  }
0x45: {  	s26 =	simm.s32 $0x6880;
	v3 =	vadd.s32 v1, v3  }
0x46: {  	[tilespmem:s26], [sflag:$0x1] =	stream.indirect_vreg.gather [hbm4b:s4+s2], $0x80, v4, vm0, $0xb8;
	[tilespmem:$0x18080] =	vst v63  }
0x47: {  	s29 =	simm.s32 $0x7080  }
0x48: {  	[tilespmem:s29], [sflag:$0x1] =	stream.indirect_vreg.gather [hbm4b:s5+s2], $0x80, v4, vm0, $0xb8;
	[tilespmem:$0x18080] =	vst v63  }
0x49: {  	s30 =	simm.s32 $0x7880  }
0x4a: {  	[tilespmem:s30], [sflag:$0x1] =	stream.indirect_vreg.gather [hbm4b:s3+s2], $0x80, v3, vm0, $0xb8;
	[tilespmem:$0x18080] =	vst v63  }
0x4b: {  	s31 =	simm.s32 $0x8080  }
0x4c: {  	[tilespmem:s31], [sflag:$0x1] =	stream.indirect_vreg.gather [hbm4b:s4+s2], $0x80, v3, vm0, $0xb8;
	[tilespmem:$0x18080] =	vst v63  }
0x4d: {  	s8 =	simm.s32 $0x8880  }
0x4e: {  	[tilespmem:s8], [sflag:$0x1] =	stream.indirect_vreg.gather [hbm4b:s5+s2], $0x80, v3, vm0, $0xb8;
	[tilespmem:$0x18080] =	vst v63  }
0x4f: {  	v3 =	vld [tilespmem:$0x30];
	_ =	sdelay $0x4  }
0x50: {  	v35 =	vshrl.u32 v3, $0x3  }
0x51: {  	v4 =	vmul.u32 $0x30, v35  }
0x52: {  	v3 =	vand.u32 $0x7, v3  }
0x53: {  	v3 =	vor.u32 v3, v4  }
0x54: {  	v4 =	vperm.xlane v3, v0;
	_ =	sdelay $0x1  }
0x55: {  	v4 =	vadd.s32 v1, v4;
	_ =	sdelay $0x3  }
0x56: {  	s9 =	simm.s32 $0x9080;
	v3 =	vperm.xlane v3, v2  }
0x57: {  	[tilespmem:s9], [sflag:$0x1] =	stream.indirect_vreg.gather [hbm4b:s3+s2], $0x80, v4, vm0, $0xb8;
	[tilespmem:$0x18080] =	vst v63  }
0x58: {  	s10 =	simm.s32 $0x9880;
	v3 =	vadd.s32 v1, v3  }
0x59: {  	[tilespmem:s10], [sflag:$0x1] =	stream.indirect_vreg.gather [hbm4b:s4+s2], $0x80, v4, vm0, $0xb8;
	[tilespmem:$0x18080] =	vst v63  }
0x5a: {  	s11 =	simm.s32 $0xA080  }
0x5b: {  	[tilespmem:s11], [sflag:$0x1] =	stream.indirect_vreg.gather [hbm4b:s5+s2], $0x80, v4, vm0, $0xb8;
	[tilespmem:$0x18080] =	vst v63  }
0x5c: {  	s14 =	simm.s32 $0xA880  }
0x5d: {  	[tilespmem:s14], [sflag:$0x1] =	stream.indirect_vreg.gather [hbm4b:s3+s2], $0x80, v3, vm0, $0xb8;
	[tilespmem:$0x18080] =	vst v63  }
0x5e: {  	s15 =	simm.s32 $0xB080  }
0x5f: {  	[tilespmem:s15], [sflag:$0x1] =	stream.indirect_vreg.gather [hbm4b:s4+s2], $0x80, v3, vm0, $0xb8;
	[tilespmem:$0x18080] =	vst v63  }
0x60: {  	s18 =	simm.s32 $0xB880  }
0x61: {  	[tilespmem:s18], [sflag:$0x1] =	stream.indirect_vreg.gather [hbm4b:s5+s2], $0x80, v3, vm0, $0xb8;
	[tilespmem:$0x18080] =	vst v63  }
0x62: {  	v3 =	vld [tilespmem:$0x40];
	_ =	sdelay $0x4  }
0x63: {  	v36 =	vshrl.u32 v3, $0x3  }
0x64: {  	v4 =	vmul.u32 $0x30, v36  }
0x65: {  	v3 =	vand.u32 $0x7, v3  }
0x66: {  	v3 =	vor.u32 v3, v4  }
0x67: {  	v4 =	vperm.xlane v3, v0;
	_ =	sdelay $0x1  }
0x68: {  	v4 =	vadd.s32 v1, v4;
	_ =	sdelay $0x3  }
0x69: {  	s19 =	simm.s32 $0xC080;
	v3 =	vperm.xlane v3, v2  }
0x6a: {  	[tilespmem:s19], [sflag:$0x1] =	stream.indirect_vreg.gather [hbm4b:s3+s2], $0x80, v4, vm0, $0xb8;
	[tilespmem:$0x18080] =	vst v63  }
0x6b: {  	s22 =	simm.s32 $0xC880;
	v3 =	vadd.s32 v1, v3  }
0x6c: {  	[tilespmem:s22], [sflag:$0x1] =	stream.indirect_vreg.gather [hbm4b:s4+s2], $0x80, v4, vm0, $0xb8;
	[tilespmem:$0x18080] =	vst v63  }
0x6d: {  	s25 =	simm.s32 $0xD080  }
0x6e: {  	[tilespmem:s25], [sflag:$0x1] =	stream.indirect_vreg.gather [hbm4b:s5+s2], $0x80, v4, vm0, $0xb8;
	[tilespmem:$0x18080] =	vst v63  }
0x6f: {  	s26 =	simm.s32 $0xD880  }
0x70: {  	[tilespmem:s26], [sflag:$0x1] =	stream.indirect_vreg.gather [hbm4b:s3+s2], $0x80, v3, vm0, $0xb8;
	[tilespmem:$0x18080] =	vst v63  }
0x71: {  	s29 =	simm.s32 $0xE080  }
0x72: {  	[tilespmem:s29], [sflag:$0x1] =	stream.indirect_vreg.gather [hbm4b:s4+s2], $0x80, v3, vm0, $0xb8;
	[tilespmem:$0x18080] =	vst v63  }
0x73: {  	s30 =	simm.s32 $0xE880  }
0x74: {  	[tilespmem:s30], [sflag:$0x1] =	stream.indirect_vreg.gather [hbm4b:s5+s2], $0x80, v3, vm0, $0xb8;
	[tilespmem:$0x18080] =	vst v63  }
0x75: {  	v3 =	vld [tilespmem:$0x50];
	_ =	sdelay $0x4  }
0x76: {  	v37 =	vshrl.u32 v3, $0x3  }
0x77: {  	v4 =	vmul.u32 $0x30, v37  }
0x78: {  	v3 =	vand.u32 $0x7, v3  }
0x79: {  	v3 =	vor.u32 v3, v4  }
0x7a: {  	v4 =	vperm.xlane v3, v0;
	_ =	sdelay $0x1  }
0x7b: {  	v4 =	vadd.s32 v1, v4;
	_ =	sdelay $0x3  }
0x7c: {  	s31 =	simm.s32 $0xF080;
	v3 =	vperm.xlane v3, v2  }
0x7d: {  	[tilespmem:s31], [sflag:$0x1] =	stream.indirect_vreg.gather [hbm4b:s3+s2], $0x80, v4, vm0, $0xb8;
	[tilespmem:$0x18080] =	vst v63  }
0x7e: {  	s0 =	simm.s32 $0xF880;
	v3 =	vadd.s32 v1, v3  }
0x7f: {  	[tilespmem:s0], [sflag:$0x1] =	stream.indirect_vreg.gather [hbm4b:s4+s2], $0x80, v4, vm0, $0xb8;
	[tilespmem:$0x18080] =	vst v63  }
0x80: {  	s8 =	simm.s32 $0x10080  }
0x81: {  	[tilespmem:s8], [sflag:$0x1] =	stream.indirect_vreg.gather [hbm4b:s5+s2], $0x80, v4, vm0, $0xb8;
	[tilespmem:$0x18080] =	vst v63  }
0x82: {  	s10 =	simm.s32 $0x10880  }
0x83: {  	[tilespmem:s10], [sflag:$0x1] =	stream.indirect_vreg.gather [hbm4b:s3+s2], $0x80, v3, vm0, $0xb8;
	[tilespmem:$0x18080] =	vst v63  }
0x84: {  	s11 =	simm.s32 $0x11080  }
0x85: {  	[tilespmem:s11], [sflag:$0x1] =	stream.indirect_vreg.gather [hbm4b:s4+s2], $0x80, v3, vm0, $0xb8;
	[tilespmem:$0x18080] =	vst v63  }
0x86: {  	s14 =	simm.s32 $0x11880  }
0x87: {  	[tilespmem:s14], [sflag:$0x1] =	stream.indirect_vreg.gather [hbm4b:s5+s2], $0x80, v3, vm0, $0xb8;
	[tilespmem:$0x18080] =	vst v63  }
0x88: {  	v3 =	vld [tilespmem:$0x60];
	_ =	sdelay $0x4  }
0x89: {  	v38 =	vshrl.u32 v3, $0x3  }
0x8a: {  	v4 =	vmul.u32 $0x30, v38  }
0x8b: {  	v3 =	vand.u32 $0x7, v3  }
0x8c: {  	v3 =	vor.u32 v3, v4  }
0x8d: {  	v4 =	vperm.xlane v3, v0;
	_ =	sdelay $0x1  }
0x8e: {  	v4 =	vadd.s32 v1, v4;
	_ =	sdelay $0x3  }
0x8f: {  	s15 =	simm.s32 $0x12080;
	v3 =	vperm.xlane v3, v2  }
0x90: {  	[tilespmem:s15], [sflag:$0x1] =	stream.indirect_vreg.gather [hbm4b:s3+s2], $0x80, v4, vm0, $0xb8;
	[tilespmem:$0x18080] =	vst v63  }
0x91: {  	s18 =	simm.s32 $0x12880;
	v3 =	vadd.s32 v1, v3  }
0x92: {  	[tilespmem:s18], [sflag:$0x1] =	stream.indirect_vreg.gather [hbm4b:s4+s2], $0x80, v4, vm0, $0xb8;
	[tilespmem:$0x18080] =	vst v63  }
0x93: {  	s19 =	simm.s32 $0x13080  }
0x94: {  	[tilespmem:s19], [sflag:$0x1] =	stream.indirect_vreg.gather [hbm4b:s5+s2], $0x80, v4, vm0, $0xb8;
	[tilespmem:$0x18080] =	vst v63  }
0x95: {  	s22 =	simm.s32 $0x13880  }
0x96: {  	[tilespmem:s22], [sflag:$0x1] =	stream.indirect_vreg.gather [hbm4b:s3+s2], $0x80, v3, vm0, $0xb8;
	[tilespmem:$0x18080] =	vst v63  }
0x97: {  	s31 =	simm.s32 $0x14080  }
0x98: {  	[tilespmem:s31], [sflag:$0x1] =	stream.indirect_vreg.gather [hbm4b:s4+s2], $0x80, v3, vm0, $0xb8;
	[tilespmem:$0x18080] =	vst v63  }
0x99: {  	s0 =	simm.s32 $0x14880  }
0x9a: {  	[tilespmem:s0], [sflag:$0x1] =	stream.indirect_vreg.gather [hbm4b:s5+s2], $0x80, v3, vm0, $0xb8;
	[tilespmem:$0x18080] =	vst v63  }
0x9b: {  	v3 =	vld [tilespmem:$0x70];
	_ =	sdelay $0x4  }
0x9c: {  	v39 =	vshrl.u32 v3, $0x3  }
0x9d: {  	v4 =	vmul.u32 $0x30, v39  }
0x9e: {  	v3 =	vand.u32 $0x7, v3  }
0x9f: {  	v3 =	vor.u32 v3, v4  }
0xa0: {  	v4 =	vperm.xlane v3, v0;
	_ =	sdelay $0x1  }
0xa1: {  	v4 =	vadd.s32 v1, v4;
	_ =	sdelay $0x3  }
0xa2: {  	s8 =	simm.s32 $0x15080;
	v3 =	vperm.xlane v3, v2  }
0xa3: {  	[tilespmem:s8], [sflag:$0x1] =	stream.indirect_vreg.gather [hbm4b:s3+s2], $0x80, v4, vm0, $0xb8;
	[tilespmem:$0x18080] =	vst v63  }
0xa4: {  	s10 =	simm.s32 $0x15880;
	v3 =	vadd.s32 v1, v3  }
0xa5: {  	[tilespmem:s10], [sflag:$0x1] =	stream.indirect_vreg.gather [hbm4b:s4+s2], $0x80, v4, vm0, $0xb8;
	[tilespmem:$0x18080] =	vst v63  }
0xa6: {  	s11 =	simm.s32 $0x16080  }
0xa7: {  	[tilespmem:s11], [sflag:$0x1] =	stream.indirect_vreg.gather [hbm4b:s5+s2], $0x80, v4, vm0, $0xb8;
	[tilespmem:$0x18080] =	vst v63  }
0xa8: {  	s14 =	simm.s32 $0x16880  }
0xa9: {  	[tilespmem:s14], [sflag:$0x1] =	stream.indirect_vreg.gather [hbm4b:s3+s2], $0x80, v3, vm0, $0xb8;
	[tilespmem:$0x18080] =	vst v63  }
0xaa: {  	s15 =	simm.s32 $0x17080  }
0xab: {  	[tilespmem:s15], [sflag:$0x1] =	stream.indirect_vreg.gather [hbm4b:s4+s2], $0x80, v3, vm0, $0xb8;
	[tilespmem:$0x18080] =	vst v63  }
0xac: {  	s18 =	simm.s32 $0x17880  }
0xad: {  	[tilespmem:s18], [sflag:$0x1] =	stream.indirect_vreg.gather [hbm4b:s5+s2], $0x80, v3, vm0, $0xb8;
	[tilespmem:$0x18080] =	vst v63  }
0xae: {  	_ =	swait.ge [sflag:s1], $0x18000  }
0xaf: {  	[sflag:s1] =	ssyncset.done $0x0  }
0xb0: {  	s19 =	rddreg [dreg:$0x4];
	[sflag:s1] =	ssyncadd.s32 $0xFFFE8000  }
0xb1: {  	[hbm4b:s19+s2] =	stream.linear.scatter [tilespmem:s28], [sflag:$0x2], $0x18000, $0x38;
	[tilespmem:$0x18080] =	vst v63  }
0xb2: {  	_ =	swait.ge [sflag:s7], $0x18000  }
0xb3: {  	[sflag:s7] =	ssyncset.done $0x0  }
0xb4: {  	s22 =	rddreg [dreg:$0x5];
	[sflag:s7] =	ssyncadd.s32 $0xFFFE8000  }
0xb5: {  	[tilespmem:s2], [sflag:$0x2] =	stream.linear.gather [hbm4b:s22+s2], $0x80, $0x38;
	[tilespmem:$0x18080] =	vst v63  }
0xb6: {  	_ =	swait.ge [sflag:s7], $0x80  }
0xb7: {  	[sflag:s7] =	ssyncset.done $0x0  }
0xb8: {  	[sflag:s7] =	ssyncadd.s32 $0xFFFFFF80  }
0xb9: {  	v3 =	vld [tilespmem:$0x0];
	_ =	sdelay $0x4  }
0xba: {  	v40 =	vshrl.u32 v3, $0x3  }
0xbb: {  	v4 =	vmul.u32 $0x30, v40  }
0xbc: {  	v3 =	vand.u32 $0x7, v3  }
0xbd: {  	v3 =	vor.u32 v3, v4  }
0xbe: {  	v4 =	vperm.xlane v3, v0;
	_ =	sdelay $0x1  }
0xbf: {  	v4 =	vadd.s32 v1, v4;
	_ =	sdelay $0x3  }
0xc0: {  	v3 =	vperm.xlane v3, v2  }
0xc1: {  	[tilespmem:s28], [sflag:$0x1] =	stream.indirect_vreg.gather [hbm4b:s3+s2], $0x80, v4, vm0, $0xb8;
	[tilespmem:$0x18080] =	vst v63  }
0xc2: {  	s0 =	simm.s32 $0x880;
	v3 =	vadd.s32 v1, v3  }
0xc3: {  	[tilespmem:s0], [sflag:$0x1] =	stream.indirect_vreg.gather [hbm4b:s4+s2], $0x80, v4, vm0, $0xb8;
	[tilespmem:$0x18080] =	vst v63  }
0xc4: {  	s8 =	simm.s32 $0x1080  }
0xc5: {  	[tilespmem:s8], [sflag:$0x1] =	stream.indirect_vreg.gather [hbm4b:s5+s2], $0x80, v4, vm0, $0xb8;
	[tilespmem:$0x18080] =	vst v63  }
0xc6: {  	s10 =	simm.s32 $0x1880  }
0xc7: {  	[tilespmem:s10], [sflag:$0x1] =	stream.indirect_vreg.gather [hbm4b:s3+s2], $0x80, v3, vm0, $0xb8;
	[tilespmem:$0x18080] =	vst v63  }
0xc8: {  	s11 =	simm.s32 $0x2080  }
0xc9: {  	[tilespmem:s11], [sflag:$0x1] =	stream.indirect_vreg.gather [hbm4b:s4+s2], $0x80, v3, vm0, $0xb8;
	[tilespmem:$0x18080] =	vst v63  }
0xca: {  	s12 =	simm.s32 $0x2880  }
0xcb: {  	[tilespmem:s12], [sflag:$0x1] =	stream.indirect_vreg.gather [hbm4b:s5+s2], $0x80, v3, vm0, $0xb8;
	[tilespmem:$0x18080] =	vst v63  }
0xcc: {  	v3 =	vld [tilespmem:$0x10];
	_ =	sdelay $0x4  }
0xcd: {  	v41 =	vshrl.u32 v3, $0x3  }
0xce: {  	v4 =	vmul.u32 $0x30, v41  }
0xcf: {  	v3 =	vand.u32 $0x7, v3  }
0xd0: {  	v3 =	vor.u32 v3, v4  }
0xd1: {  	v4 =	vperm.xlane v3, v0;
	_ =	sdelay $0x1  }
0xd2: {  	v4 =	vadd.s32 v1, v4;
	_ =	sdelay $0x3  }
0xd3: {  	s13 =	simm.s32 $0x3080;
	v3 =	vperm.xlane v3, v2  }
0xd4: {  	[tilespmem:s13], [sflag:$0x1] =	stream.indirect_vreg.gather [hbm4b:s3+s2], $0x80, v4, vm0, $0xb8;
	[tilespmem:$0x18080] =	vst v63  }
0xd5: {  	s12 =	simm.s32 $0x3880;
	v3 =	vadd.s32 v1, v3  }
0xd6: {  	[tilespmem:s12], [sflag:$0x1] =	stream.indirect_vreg.gather [hbm4b:s4+s2], $0x80, v4, vm0, $0xb8;
	[tilespmem:$0x18080] =	vst v63  }
0xd7: {  	s13 =	simm.s32 $0x4080  }
0xd8: {  	[tilespmem:s13], [sflag:$0x1] =	stream.indirect_vreg.gather [hbm4b:s5+s2], $0x80, v4, vm0, $0xb8;
	[tilespmem:$0x18080] =	vst v63  }
0xd9: {  	s14 =	simm.s32 $0x4880  }
0xda: {  	[tilespmem:s14], [sflag:$0x1] =	stream.indirect_vreg.gather [hbm4b:s3+s2], $0x80, v3, vm0, $0xb8;
	[tilespmem:$0x18080] =	vst v63  }
0xdb: {  	s15 =	simm.s32 $0x5080  }
0xdc: {  	[tilespmem:s15], [sflag:$0x1] =	stream.indirect_vreg.gather [hbm4b:s4+s2], $0x80, v3, vm0, $0xb8;
	[tilespmem:$0x18080] =	vst v63  }
0xdd: {  	s16 =	simm.s32 $0x5880  }
0xde: {  	[tilespmem:s16], [sflag:$0x1] =	stream.indirect_vreg.gather [hbm4b:s5+s2], $0x80, v3, vm0, $0xb8;
	[tilespmem:$0x18080] =	vst v63  }
0xdf: {  	v3 =	vld [tilespmem:$0x20];
	_ =	sdelay $0x4  }
0xe0: {  	v42 =	vshrl.u32 v3, $0x3  }
0xe1: {  	v4 =	vmul.u32 $0x30, v42  }
0xe2: {  	v3 =	vand.u32 $0x7, v3  }
0xe3: {  	v3 =	vor.u32 v3, v4  }
0xe4: {  	v4 =	vperm.xlane v3, v0;
	_ =	sdelay $0x1  }
0xe5: {  	v4 =	vadd.s32 v1, v4;
	_ =	sdelay $0x3  }
0xe6: {  	s17 =	simm.s32 $0x6080;
	v3 =	vperm.xlane v3, v2  }
0xe7: {  	[tilespmem:s17], [sflag:$0x1] =	stream.indirect_vreg.gather [hbm4b:s3+s2], $0x80, v4, vm0, $0xb8;
	[tilespmem:$0x18080] =	vst v63  }
0xe8: {  	s16 =	simm.s32 $0x6880;
	v3 =	vadd.s32 v1, v3  }
0xe9: {  	[tilespmem:s16], [sflag:$0x1] =	stream.indirect_vreg.gather [hbm4b:s4+s2], $0x80, v4, vm0, $0xb8;
	[tilespmem:$0x18080] =	vst v63  }
0xea: {  	s17 =	simm.s32 $0x7080  }
0xeb: {  	[tilespmem:s17], [sflag:$0x1] =	stream.indirect_vreg.gather [hbm4b:s5+s2], $0x80, v4, vm0, $0xb8;
	[tilespmem:$0x18080] =	vst v63  }
0xec: {  	s18 =	simm.s32 $0x7880  }
0xed: {  	[tilespmem:s18], [sflag:$0x1] =	stream.indirect_vreg.gather [hbm4b:s3+s2], $0x80, v3, vm0, $0xb8;
	[tilespmem:$0x18080] =	vst v63  }
0xee: {  	s19 =	simm.s32 $0x8080  }
0xef: {  	[tilespmem:s19], [sflag:$0x1] =	stream.indirect_vreg.gather [hbm4b:s4+s2], $0x80, v3, vm0, $0xb8;
	[tilespmem:$0x18080] =	vst v63  }
0xf0: {  	s20 =	simm.s32 $0x8880  }
0xf1: {  	[tilespmem:s20], [sflag:$0x1] =	stream.indirect_vreg.gather [hbm4b:s5+s2], $0x80, v3, vm0, $0xb8;
	[tilespmem:$0x18080] =	vst v63  }
0xf2: {  	v3 =	vld [tilespmem:$0x30];
	_ =	sdelay $0x4  }
0xf3: {  	v43 =	vshrl.u32 v3, $0x3  }
0xf4: {  	v4 =	vmul.u32 $0x30, v43  }
0xf5: {  	v3 =	vand.u32 $0x7, v3  }
0xf6: {  	v3 =	vor.u32 v3, v4  }
0xf7: {  	v4 =	vperm.xlane v3, v0;
	_ =	sdelay $0x1  }
0xf8: {  	v4 =	vadd.s32 v1, v4;
	_ =	sdelay $0x3  }
0xf9: {  	s21 =	simm.s32 $0x9080;
	v3 =	vperm.xlane v3, v2  }
0xfa: {  	[tilespmem:s21], [sflag:$0x1] =	stream.indirect_vreg.gather [hbm4b:s3+s2], $0x80, v4, vm0, $0xb8;
	[tilespmem:$0x18080] =	vst v63  }
0xfb: {  	s20 =	simm.s32 $0x9880;
	v3 =	vadd.s32 v1, v3  }
0xfc: {  	[tilespmem:s20], [sflag:$0x1] =	stream.indirect_vreg.gather [hbm4b:s4+s2], $0x80, v4, vm0, $0xb8;
	[tilespmem:$0x18080] =	vst v63  }
0xfd: {  	s21 =	simm.s32 $0xA080  }
0xfe: {  	[tilespmem:s21], [sflag:$0x1] =	stream.indirect_vreg.gather [hbm4b:s5+s2], $0x80, v4, vm0, $0xb8;
	[tilespmem:$0x18080] =	vst v63  }
0xff: {  	s22 =	simm.s32 $0xA880  }
0x100: {  	[tilespmem:s22], [sflag:$0x1] =	stream.indirect_vreg.gather [hbm4b:s3+s2], $0x80, v3, vm0, $0xb8;
	[tilespmem:$0x18080] =	vst v63  }
0x101: {  	s9 =	simm.s32 $0xB080  }
0x102: {  	[tilespmem:s9], [sflag:$0x1] =	stream.indirect_vreg.gather [hbm4b:s4+s2], $0x80, v3, vm0, $0xb8;
	[tilespmem:$0x18080] =	vst v63  }
0x103: {  	s23 =	simm.s32 $0xB880  }
0x104: {  	[tilespmem:s23], [sflag:$0x1] =	stream.indirect_vreg.gather [hbm4b:s5+s2], $0x80, v3, vm0, $0xb8;
	[tilespmem:$0x18080] =	vst v63  }
0x105: {  	v3 =	vld [tilespmem:$0x40];
	_ =	sdelay $0x4  }
0x106: {  	v44 =	vshrl.u32 v3, $0x3  }
0x107: {  	v4 =	vmul.u32 $0x30, v44  }
0x108: {  	v3 =	vand.u32 $0x7, v3  }
0x109: {  	v3 =	vor.u32 v3, v4  }
0x10a: {  	v4 =	vperm.xlane v3, v0;
	_ =	sdelay $0x1  }
0x10b: {  	v4 =	vadd.s32 v1, v4;
	_ =	sdelay $0x3  }
0x10c: {  	s24 =	simm.s32 $0xC080;
	v3 =	vperm.xlane v3, v2  }
0x10d: {  	[tilespmem:s24], [sflag:$0x1] =	stream.indirect_vreg.gather [hbm4b:s3+s2], $0x80, v4, vm0, $0xb8;
	[tilespmem:$0x18080] =	vst v63  }
0x10e: {  	s23 =	simm.s32 $0xC880;
	v3 =	vadd.s32 v1, v3  }
0x10f: {  	[tilespmem:s23], [sflag:$0x1] =	stream.indirect_vreg.gather [hbm4b:s4+s2], $0x80, v4, vm0, $0xb8;
	[tilespmem:$0x18080] =	vst v63  }
0x110: {  	s24 =	simm.s32 $0xD080  }
0x111: {  	[tilespmem:s24], [sflag:$0x1] =	stream.indirect_vreg.gather [hbm4b:s5+s2], $0x80, v4, vm0, $0xb8;
	[tilespmem:$0x18080] =	vst v63  }
0x112: {  	s9 =	simm.s32 $0xD880  }
0x113: {  	[tilespmem:s9], [sflag:$0x1] =	stream.indirect_vreg.gather [hbm4b:s3+s2], $0x80, v3, vm0, $0xb8;
	[tilespmem:$0x18080] =	vst v63  }
0x114: {  	s9 =	simm.s32 $0xE080  }
0x115: {  	[tilespmem:s9], [sflag:$0x1] =	stream.indirect_vreg.gather [hbm4b:s4+s2], $0x80, v3, vm0, $0xb8;
	[tilespmem:$0x18080] =	vst v63  }
0x116: {  	s25 =	simm.s32 $0xE880  }
0x117: {  	[tilespmem:s25], [sflag:$0x1] =	stream.indirect_vreg.gather [hbm4b:s5+s2], $0x80, v3, vm0, $0xb8;
	[tilespmem:$0x18080] =	vst v63  }
0x118: {  	v3 =	vld [tilespmem:$0x50];
	_ =	sdelay $0x4  }
0x119: {  	v45 =	vshrl.u32 v3, $0x3  }
0x11a: {  	v4 =	vmul.u32 $0x30, v45  }
0x11b: {  	v3 =	vand.u32 $0x7, v3  }
0x11c: {  	v3 =	vor.u32 v3, v4  }
0x11d: {  	v4 =	vperm.xlane v3, v0;
	_ =	sdelay $0x1  }
0x11e: {  	v4 =	vadd.s32 v1, v4;
	_ =	sdelay $0x3  }
0x11f: {  	s26 =	simm.s32 $0xF080;
	v3 =	vperm.xlane v3, v2  }
0x120: {  	[tilespmem:s26], [sflag:$0x1] =	stream.indirect_vreg.gather [hbm4b:s3+s2], $0x80, v4, vm0, $0xb8;
	[tilespmem:$0x18080] =	vst v63  }
0x121: {  	s25 =	simm.s32 $0xF880;
	v3 =	vadd.s32 v1, v3  }
0x122: {  	[tilespmem:s25], [sflag:$0x1] =	stream.indirect_vreg.gather [hbm4b:s4+s2], $0x80, v4, vm0, $0xb8;
	[tilespmem:$0x18080] =	vst v63  }
0x123: {  	s26 =	simm.s32 $0x10080  }
0x124: {  	[tilespmem:s26], [sflag:$0x1] =	stream.indirect_vreg.gather [hbm4b:s5+s2], $0x80, v4, vm0, $0xb8;
	[tilespmem:$0x18080] =	vst v63  }
0x125: {  	s25 =	simm.s32 $0x10880  }
0x126: {  	[tilespmem:s25], [sflag:$0x1] =	stream.indirect_vreg.gather [hbm4b:s3+s2], $0x80, v3, vm0, $0xb8;
	[tilespmem:$0x18080] =	vst v63  }
0x127: {  	s26 =	simm.s32 $0x11080  }
0x128: {  	[tilespmem:s26], [sflag:$0x1] =	stream.indirect_vreg.gather [hbm4b:s4+s2], $0x80, v3, vm0, $0xb8;
	[tilespmem:$0x18080] =	vst v63  }
0x129: {  	s29 =	simm.s32 $0x11880  }
0x12a: {  	[tilespmem:s29], [sflag:$0x1] =	stream.indirect_vreg.gather [hbm4b:s5+s2], $0x80, v3, vm0, $0xb8;
	[tilespmem:$0x18080] =	vst v63  }
0x12b: {  	v3 =	vld [tilespmem:$0x60];
	_ =	sdelay $0x4  }
0x12c: {  	v46 =	vshrl.u32 v3, $0x3  }
0x12d: {  	v4 =	vmul.u32 $0x30, v46  }
0x12e: {  	v3 =	vand.u32 $0x7, v3  }
0x12f: {  	v3 =	vor.u32 v3, v4  }
0x130: {  	v4 =	vperm.xlane v3, v0;
	_ =	sdelay $0x1  }
0x131: {  	v4 =	vadd.s32 v1, v4;
	_ =	sdelay $0x3  }
0x132: {  	s30 =	simm.s32 $0x12080;
	v3 =	vperm.xlane v3, v2  }
0x133: {  	[tilespmem:s30], [sflag:$0x1] =	stream.indirect_vreg.gather [hbm4b:s3+s2], $0x80, v4, vm0, $0xb8;
	[tilespmem:$0x18080] =	vst v63  }
0x134: {  	s25 =	simm.s32 $0x12880;
	v3 =	vadd.s32 v1, v3  }
0x135: {  	[tilespmem:s25], [sflag:$0x1] =	stream.indirect_vreg.gather [hbm4b:s4+s2], $0x80, v4, vm0, $0xb8;
	[tilespmem:$0x18080] =	vst v63  }
0x136: {  	s26 =	simm.s32 $0x13080  }
0x137: {  	[tilespmem:s26], [sflag:$0x1] =	stream.indirect_vreg.gather [hbm4b:s5+s2], $0x80, v4, vm0, $0xb8;
	[tilespmem:$0x18080] =	vst v63  }
0x138: {  	s29 =	simm.s32 $0x13880  }
0x139: {  	[tilespmem:s29], [sflag:$0x1] =	stream.indirect_vreg.gather [hbm4b:s3+s2], $0x80, v3, vm0, $0xb8;
	[tilespmem:$0x18080] =	vst v63  }
0x13a: {  	s30 =	simm.s32 $0x14080  }
0x13b: {  	[tilespmem:s30], [sflag:$0x1] =	stream.indirect_vreg.gather [hbm4b:s4+s2], $0x80, v3, vm0, $0xb8;
	[tilespmem:$0x18080] =	vst v63  }
0x13c: {  	s31 =	simm.s32 $0x14880  }
0x13d: {  	[tilespmem:s31], [sflag:$0x1] =	stream.indirect_vreg.gather [hbm4b:s5+s2], $0x80, v3, vm0, $0xb8;
	[tilespmem:$0x18080] =	vst v63  }
0x13e: {  	v3 =	vld [tilespmem:$0x70];
	_ =	sdelay $0x4  }
0x13f: {  	v47 =	vshrl.u32 v3, $0x3  }
0x140: {  	v4 =	vmul.u32 $0x30, v47  }
0x141: {  	v3 =	vand.u32 $0x7, v3  }
0x142: {  	v3 =	vor.u32 v3, v4  }
0x143: {  	v4 =	vperm.xlane v3, v0;
	_ =	sdelay $0x1  }
0x144: {  	v4 =	vadd.s32 v1, v4;
	_ =	sdelay $0x3  }
0x145: {  	s31 =	simm.s32 $0x15080;
	v3 =	vperm.xlane v3, v2  }
0x146: {  	[tilespmem:s31], [sflag:$0x1] =	stream.indirect_vreg.gather [hbm4b:s3+s2], $0x80, v4, vm0, $0xb8;
	[tilespmem:$0x18080] =	vst v63  }
0x147: {  	s25 =	simm.s32 $0x15880;
	v3 =	vadd.s32 v1, v3  }
0x148: {  	[tilespmem:s25], [sflag:$0x1] =	stream.indirect_vreg.gather [hbm4b:s4+s2], $0x80, v4, vm0, $0xb8;
	[tilespmem:$0x18080] =	vst v63  }
0x149: {  	s26 =	simm.s32 $0x16080  }
0x14a: {  	[tilespmem:s26], [sflag:$0x1] =	stream.indirect_vreg.gather [hbm4b:s5+s2], $0x80, v4, vm0, $0xb8;
	[tilespmem:$0x18080] =	vst v63  }
0x14b: {  	s29 =	simm.s32 $0x16880  }
0x14c: {  	[tilespmem:s29], [sflag:$0x1] =	stream.indirect_vreg.gather [hbm4b:s3+s2], $0x80, v3, vm0, $0xb8;
	[tilespmem:$0x18080] =	vst v63  }
0x14d: {  	s30 =	simm.s32 $0x17080  }
0x14e: {  	[tilespmem:s30], [sflag:$0x1] =	stream.indirect_vreg.gather [hbm4b:s4+s2], $0x80, v3, vm0, $0xb8;
	[tilespmem:$0x18080] =	vst v63  }
0x14f: {  	s31 =	simm.s32 $0x17880  }
0x150: {  	[tilespmem:s31], [sflag:$0x1] =	stream.indirect_vreg.gather [hbm4b:s5+s2], $0x80, v3, vm0, $0xb8;
	[tilespmem:$0x18080] =	vst v63  }
0x151: {  	_ =	swait.ge [sflag:s1], $0x18000  }
0x152: {  	[sflag:s1] =	ssyncset.done $0x0  }
0x153: {  	s25 =	rddreg [dreg:$0x6];
	[sflag:s1] =	ssyncadd.s32 $0xFFFE8000  }
0x154: {  	[hbm4b:s25+s2] =	stream.linear.scatter [tilespmem:s28], [sflag:$0x2], $0x18000, $0x38;
	[tilespmem:$0x18080] =	vst v63  }
0x155: {  	_ =	swait.ge [sflag:s7], $0x18000  }
0x156: {  	[sflag:s7] =	ssyncset.done $0x0  }
0x157: {  	s26 =	rddreg [dreg:$0x7];
	[sflag:s7] =	ssyncadd.s32 $0xFFFE8000  }
0x158: {  	[tilespmem:s2], [sflag:$0x2] =	stream.linear.gather [hbm4b:s26+s2], $0x80, $0x38;
	[tilespmem:$0x18080] =	vst v63  }
0x159: {  	_ =	swait.ge [sflag:s7], $0x80  }
0x15a: {  	[sflag:s7] =	ssyncset.done $0x0  }
0x15b: {  	[sflag:s7] =	ssyncadd.s32 $0xFFFFFF80  }
0x15c: {  	v3 =	vld [tilespmem:$0x0];
	_ =	sdelay $0x4  }
0x15d: {  	v48 =	vshrl.u32 v3, $0x3  }
0x15e: {  	v4 =	vmul.u32 $0x30, v48  }
0x15f: {  	v3 =	vand.u32 $0x7, v3  }
0x160: {  	v3 =	vor.u32 v3, v4  }
0x161: {  	v4 =	vperm.xlane v3, v0;
	_ =	sdelay $0x1  }
0x162: {  	v4 =	vadd.s32 v1, v4;
	_ =	sdelay $0x3  }
0x163: {  	v3 =	vperm.xlane v3, v2  }
0x164: {  	[tilespmem:s28], [sflag:$0x1] =	stream.indirect_vreg.gather [hbm4b:s3+s2], $0x80, v4, vm0, $0xb8;
	[tilespmem:$0x18080] =	vst v63  }
0x165: {  	v3 =	vadd.s32 v1, v3  }
0x166: {  	[tilespmem:s0], [sflag:$0x1] =	stream.indirect_vreg.gather [hbm4b:s4+s2], $0x80, v4, vm0, $0xb8;
	[tilespmem:$0x18080] =	vst v63  }
0x167: {  	_ = 	snop  }
0x168: {  	[tilespmem:s8], [sflag:$0x1] =	stream.indirect_vreg.gather [hbm4b:s5+s2], $0x80, v4, vm0, $0xb8;
	[tilespmem:$0x18080] =	vst v63  }
0x169: {  	_ = 	snop  }
0x16a: {  	[tilespmem:s10], [sflag:$0x1] =	stream.indirect_vreg.gather [hbm4b:s3+s2], $0x80, v3, vm0, $0xb8;
	[tilespmem:$0x18080] =	vst v63  }
0x16b: {  	_ = 	snop  }
0x16c: {  	[tilespmem:s11], [sflag:$0x1] =	stream.indirect_vreg.gather [hbm4b:s4+s2], $0x80, v3, vm0, $0xb8;
	[tilespmem:$0x18080] =	vst v63  }
0x16d: {  	s29 =	simm.s32 $0x2880  }
0x16e: {  	[tilespmem:s29], [sflag:$0x1] =	stream.indirect_vreg.gather [hbm4b:s5+s2], $0x80, v3, vm0, $0xb8;
	[tilespmem:$0x18080] =	vst v63  }
0x16f: {  	v3 =	vld [tilespmem:$0x10];
	_ =	sdelay $0x4  }
0x170: {  	v49 =	vshrl.u32 v3, $0x3  }
0x171: {  	v4 =	vmul.u32 $0x30, v49  }
0x172: {  	v3 =	vand.u32 $0x7, v3  }
0x173: {  	v3 =	vor.u32 v3, v4  }
0x174: {  	v4 =	vperm.xlane v3, v0;
	_ =	sdelay $0x1  }
0x175: {  	v4 =	vadd.s32 v1, v4;
	_ =	sdelay $0x3  }
0x176: {  	s30 =	simm.s32 $0x3080;
	v3 =	vperm.xlane v3, v2  }
0x177: {  	[tilespmem:s30], [sflag:$0x1] =	stream.indirect_vreg.gather [hbm4b:s3+s2], $0x80, v4, vm0, $0xb8;
	[tilespmem:$0x18080] =	vst v63  }
0x178: {  	v3 =	vadd.s32 v1, v3  }
0x179: {  	[tilespmem:s12], [sflag:$0x1] =	stream.indirect_vreg.gather [hbm4b:s4+s2], $0x80, v4, vm0, $0xb8;
	[tilespmem:$0x18080] =	vst v63  }
0x17a: {  	_ = 	snop  }
0x17b: {  	[tilespmem:s13], [sflag:$0x1] =	stream.indirect_vreg.gather [hbm4b:s5+s2], $0x80, v4, vm0, $0xb8;
	[tilespmem:$0x18080] =	vst v63  }
0x17c: {  	_ = 	snop  }
0x17d: {  	[tilespmem:s14], [sflag:$0x1] =	stream.indirect_vreg.gather [hbm4b:s3+s2], $0x80, v3, vm0, $0xb8;
	[tilespmem:$0x18080] =	vst v63  }
0x17e: {  	_ = 	snop  }
0x17f: {  	[tilespmem:s15], [sflag:$0x1] =	stream.indirect_vreg.gather [hbm4b:s4+s2], $0x80, v3, vm0, $0xb8;
	[tilespmem:$0x18080] =	vst v63  }
0x180: {  	s31 =	simm.s32 $0x5880  }
0x181: {  	[tilespmem:s31], [sflag:$0x1] =	stream.indirect_vreg.gather [hbm4b:s5+s2], $0x80, v3, vm0, $0xb8;
	[tilespmem:$0x18080] =	vst v63  }
0x182: {  	v3 =	vld [tilespmem:$0x20];
	_ =	sdelay $0x4  }
0x183: {  	v50 =	vshrl.u32 v3, $0x3  }
0x184: {  	v4 =	vmul.u32 $0x30, v50  }
0x185: {  	v3 =	vand.u32 $0x7, v3  }
0x186: {  	v3 =	vor.u32 v3, v4  }
0x187: {  	v4 =	vperm.xlane v3, v0;
	_ =	sdelay $0x1  }
0x188: {  	v4 =	vadd.s32 v1, v4;
	_ =	sdelay $0x3  }
0x189: {  	s25 =	simm.s32 $0x6080;
	v3 =	vperm.xlane v3, v2  }
0x18a: {  	[tilespmem:s25], [sflag:$0x1] =	stream.indirect_vreg.gather [hbm4b:s3+s2], $0x80, v4, vm0, $0xb8;
	[tilespmem:$0x18080] =	vst v63  }
0x18b: {  	v3 =	vadd.s32 v1, v3  }
0x18c: {  	[tilespmem:s16], [sflag:$0x1] =	stream.indirect_vreg.gather [hbm4b:s4+s2], $0x80, v4, vm0, $0xb8;
	[tilespmem:$0x18080] =	vst v63  }
0x18d: {  	_ = 	snop  }
0x18e: {  	[tilespmem:s17], [sflag:$0x1] =	stream.indirect_vreg.gather [hbm4b:s5+s2], $0x80, v4, vm0, $0xb8;
	[tilespmem:$0x18080] =	vst v63  }
0x18f: {  	_ = 	snop  }
0x190: {  	[tilespmem:s18], [sflag:$0x1] =	stream.indirect_vreg.gather [hbm4b:s3+s2], $0x80, v3, vm0, $0xb8;
	[tilespmem:$0x18080] =	vst v63  }
0x191: {  	_ = 	snop  }
0x192: {  	[tilespmem:s19], [sflag:$0x1] =	stream.indirect_vreg.gather [hbm4b:s4+s2], $0x80, v3, vm0, $0xb8;
	[tilespmem:$0x18080] =	vst v63  }
0x193: {  	s26 =	simm.s32 $0x8880  }
0x194: {  	[tilespmem:s26], [sflag:$0x1] =	stream.indirect_vreg.gather [hbm4b:s5+s2], $0x80, v3, vm0, $0xb8;
	[tilespmem:$0x18080] =	vst v63  }
0x195: {  	v3 =	vld [tilespmem:$0x30];
	_ =	sdelay $0x4  }
0x196: {  	v51 =	vshrl.u32 v3, $0x3  }
0x197: {  	v4 =	vmul.u32 $0x30, v51  }
0x198: {  	v3 =	vand.u32 $0x7, v3  }
0x199: {  	v3 =	vor.u32 v3, v4  }
0x19a: {  	v4 =	vperm.xlane v3, v0;
	_ =	sdelay $0x1  }
0x19b: {  	v4 =	vadd.s32 v1, v4;
	_ =	sdelay $0x3  }
0x19c: {  	s29 =	simm.s32 $0x9080;
	v3 =	vperm.xlane v3, v2  }
0x19d: {  	[tilespmem:s29], [sflag:$0x1] =	stream.indirect_vreg.gather [hbm4b:s3+s2], $0x80, v4, vm0, $0xb8;
	[tilespmem:$0x18080] =	vst v63  }
0x19e: {  	v3 =	vadd.s32 v1, v3  }
0x19f: {  	[tilespmem:s20], [sflag:$0x1] =	stream.indirect_vreg.gather [hbm4b:s4+s2], $0x80, v4, vm0, $0xb8;
	[tilespmem:$0x18080] =	vst v63  }
0x1a0: {  	_ = 	snop  }
0x1a1: {  	[tilespmem:s21], [sflag:$0x1] =	stream.indirect_vreg.gather [hbm4b:s5+s2], $0x80, v4, vm0, $0xb8;
	[tilespmem:$0x18080] =	vst v63  }
0x1a2: {  	_ = 	snop  }
0x1a3: {  	[tilespmem:s22], [sflag:$0x1] =	stream.indirect_vreg.gather [hbm4b:s3+s2], $0x80, v3, vm0, $0xb8;
	[tilespmem:$0x18080] =	vst v63  }
0x1a4: {  	s30 =	simm.s32 $0xB080  }
0x1a5: {  	[tilespmem:s30], [sflag:$0x1] =	stream.indirect_vreg.gather [hbm4b:s4+s2], $0x80, v3, vm0, $0xb8;
	[tilespmem:$0x18080] =	vst v63  }
0x1a6: {  	s31 =	simm.s32 $0xB880  }
0x1a7: {  	[tilespmem:s31], [sflag:$0x1] =	stream.indirect_vreg.gather [hbm4b:s5+s2], $0x80, v3, vm0, $0xb8;
	[tilespmem:$0x18080] =	vst v63  }
0x1a8: {  	v3 =	vld [tilespmem:$0x40];
	_ =	sdelay $0x4  }
0x1a9: {  	v52 =	vshrl.u32 v3, $0x3  }
0x1aa: {  	v4 =	vmul.u32 $0x30, v52  }
0x1ab: {  	v3 =	vand.u32 $0x7, v3  }
0x1ac: {  	v3 =	vor.u32 v3, v4  }
0x1ad: {  	v4 =	vperm.xlane v3, v0;
	_ =	sdelay $0x1  }
0x1ae: {  	v4 =	vadd.s32 v1, v4;
	_ =	sdelay $0x3  }
0x1af: {  	s25 =	simm.s32 $0xC080;
	v3 =	vperm.xlane v3, v2  }
0x1b0: {  	[tilespmem:s25], [sflag:$0x1] =	stream.indirect_vreg.gather [hbm4b:s3+s2], $0x80, v4, vm0, $0xb8;
	[tilespmem:$0x18080] =	vst v63  }
0x1b1: {  	s23 =	simm.s32 $0xC880;
	v3 =	vadd.s32 v1, v3  }
0x1b2: {  	[tilespmem:s23], [sflag:$0x1] =	stream.indirect_vreg.gather [hbm4b:s4+s2], $0x80, v4, vm0, $0xb8;
	[tilespmem:$0x18080] =	vst v63  }
0x1b3: {  	s24 =	simm.s32 $0xD080  }
0x1b4: {  	[tilespmem:s24], [sflag:$0x1] =	stream.indirect_vreg.gather [hbm4b:s5+s2], $0x80, v4, vm0, $0xb8;
	[tilespmem:$0x18080] =	vst v63  }
0x1b5: {  	s26 =	simm.s32 $0xD880  }
0x1b6: {  	[tilespmem:s26], [sflag:$0x1] =	stream.indirect_vreg.gather [hbm4b:s3+s2], $0x80, v3, vm0, $0xb8;
	[tilespmem:$0x18080] =	vst v63  }
0x1b7: {  	s29 =	simm.s32 $0xE080  }
0x1b8: {  	[tilespmem:s29], [sflag:$0x1] =	stream.indirect_vreg.gather [hbm4b:s4+s2], $0x80, v3, vm0, $0xb8;
	[tilespmem:$0x18080] =	vst v63  }
0x1b9: {  	s30 =	simm.s32 $0xE880  }
0x1ba: {  	[tilespmem:s30], [sflag:$0x1] =	stream.indirect_vreg.gather [hbm4b:s5+s2], $0x80, v3, vm0, $0xb8;
	[tilespmem:$0x18080] =	vst v63  }
0x1bb: {  	v3 =	vld [tilespmem:$0x50];
	_ =	sdelay $0x4  }
0x1bc: {  	v53 =	vshrl.u32 v3, $0x3  }
0x1bd: {  	v4 =	vmul.u32 $0x30, v53  }
0x1be: {  	v3 =	vand.u32 $0x7, v3  }
0x1bf: {  	v3 =	vor.u32 v3, v4  }
0x1c0: {  	v4 =	vperm.xlane v3, v0;
	_ =	sdelay $0x1  }
0x1c1: {  	v4 =	vadd.s32 v1, v4;
	_ =	sdelay $0x3  }
0x1c2: {  	s31 =	simm.s32 $0xF080;
	v3 =	vperm.xlane v3, v2  }
0x1c3: {  	[tilespmem:s31], [sflag:$0x1] =	stream.indirect_vreg.gather [hbm4b:s3+s2], $0x80, v4, vm0, $0xb8;
	[tilespmem:$0x18080] =	vst v63  }
0x1c4: {  	s29 =	simm.s32 $0xF880;
	v3 =	vadd.s32 v1, v3  }
0x1c5: {  	[tilespmem:s29], [sflag:$0x1] =	stream.indirect_vreg.gather [hbm4b:s4+s2], $0x80, v4, vm0, $0xb8;
	[tilespmem:$0x18080] =	vst v63  }
0x1c6: {  	s30 =	simm.s32 $0x10080  }
0x1c7: {  	[tilespmem:s30], [sflag:$0x1] =	stream.indirect_vreg.gather [hbm4b:s5+s2], $0x80, v4, vm0, $0xb8;
	[tilespmem:$0x18080] =	vst v63  }
0x1c8: {  	s31 =	simm.s32 $0x10880  }
0x1c9: {  	[tilespmem:s31], [sflag:$0x1] =	stream.indirect_vreg.gather [hbm4b:s3+s2], $0x80, v3, vm0, $0xb8;
	[tilespmem:$0x18080] =	vst v63  }
0x1ca: {  	s9 =	simm.s32 $0x11080  }
0x1cb: {  	[tilespmem:s9], [sflag:$0x1] =	stream.indirect_vreg.gather [hbm4b:s4+s2], $0x80, v3, vm0, $0xb8;
	[tilespmem:$0x18080] =	vst v63  }
0x1cc: {  	s9 =	simm.s32 $0x11880  }
0x1cd: {  	[tilespmem:s9], [sflag:$0x1] =	stream.indirect_vreg.gather [hbm4b:s5+s2], $0x80, v3, vm0, $0xb8;
	[tilespmem:$0x18080] =	vst v63  }
0x1ce: {  	v3 =	vld [tilespmem:$0x60];
	_ =	sdelay $0x4  }
0x1cf: {  	v54 =	vshrl.u32 v3, $0x3  }
0x1d0: {  	v4 =	vmul.u32 $0x30, v54  }
0x1d1: {  	v3 =	vand.u32 $0x7, v3  }
0x1d2: {  	v3 =	vor.u32 v3, v4  }
0x1d3: {  	v4 =	vperm.xlane v3, v0;
	_ =	sdelay $0x1  }
0x1d4: {  	v4 =	vadd.s32 v1, v4;
	_ =	sdelay $0x3  }
0x1d5: {  	s9 =	simm.s32 $0x12080;
	v3 =	vperm.xlane v3, v2  }
0x1d6: {  	[tilespmem:s9], [sflag:$0x1] =	stream.indirect_vreg.gather [hbm4b:s3+s2], $0x80, v4, vm0, $0xb8;
	[tilespmem:$0x18080] =	vst v63  }
0x1d7: {  	v3 =	vadd.s32 v1, v3;
	s9 =	simm.s32 $0x12880  }
0x1d8: {  	[tilespmem:s9], [sflag:$0x1] =	stream.indirect_vreg.gather [hbm4b:s4+s2], $0x80, v4, vm0, $0xb8;
	[tilespmem:$0x18080] =	vst v63  }
0x1d9: {  	s9 =	simm.s32 $0x13080  }
0x1da: {  	[tilespmem:s9], [sflag:$0x1] =	stream.indirect_vreg.gather [hbm4b:s5+s2], $0x80, v4, vm0, $0xb8;
	[tilespmem:$0x18080] =	vst v63  }
0x1db: {  	s9 =	simm.s32 $0x13880  }
0x1dc: {  	[tilespmem:s9], [sflag:$0x1] =	stream.indirect_vreg.gather [hbm4b:s3+s2], $0x80, v3, vm0, $0xb8;
	[tilespmem:$0x18080] =	vst v63  }
0x1dd: {  	s9 =	simm.s32 $0x14080  }
0x1de: {  	[tilespmem:s9], [sflag:$0x1] =	stream.indirect_vreg.gather [hbm4b:s4+s2], $0x80, v3, vm0, $0xb8;
	[tilespmem:$0x18080] =	vst v63  }
0x1df: {  	s9 =	simm.s32 $0x14880  }
0x1e0: {  	[tilespmem:s9], [sflag:$0x1] =	stream.indirect_vreg.gather [hbm4b:s5+s2], $0x80, v3, vm0, $0xb8;
	[tilespmem:$0x18080] =	vst v63  }
0x1e1: {  	v3 =	vld [tilespmem:$0x70];
	_ =	sdelay $0x4  }
0x1e2: {  	v55 =	vshrl.u32 v3, $0x3  }
0x1e3: {  	v4 =	vmul.u32 $0x30, v55  }
0x1e4: {  	v3 =	vand.u32 $0x7, v3  }
0x1e5: {  	v3 =	vor.u32 v3, v4  }
0x1e6: {  	v4 =	vperm.xlane v3, v0;
	_ =	sdelay $0x1  }
0x1e7: {  	v4 =	vadd.s32 v1, v4;
	_ =	sdelay $0x3  }
0x1e8: {  	s9 =	simm.s32 $0x15080;
	v3 =	vperm.xlane v3, v2  }
0x1e9: {  	[tilespmem:s9], [sflag:$0x1] =	stream.indirect_vreg.gather [hbm4b:s3+s2], $0x80, v4, vm0, $0xb8;
	[tilespmem:$0x18080] =	vst v63  }
0x1ea: {  	v3 =	vadd.s32 v1, v3;
	s9 =	simm.s32 $0x15880  }
0x1eb: {  	[tilespmem:s9], [sflag:$0x1] =	stream.indirect_vreg.gather [hbm4b:s4+s2], $0x80, v4, vm0, $0xb8;
	[tilespmem:$0x18080] =	vst v63  }
0x1ec: {  	s9 =	simm.s32 $0x16080  }
0x1ed: {  	[tilespmem:s9], [sflag:$0x1] =	stream.indirect_vreg.gather [hbm4b:s5+s2], $0x80, v4, vm0, $0xb8;
	[tilespmem:$0x18080] =	vst v63  }
0x1ee: {  	s9 =	simm.s32 $0x16880  }
0x1ef: {  	[tilespmem:s9], [sflag:$0x1] =	stream.indirect_vreg.gather [hbm4b:s3+s2], $0x80, v3, vm0, $0xb8;
	[tilespmem:$0x18080] =	vst v63  }
0x1f0: {  	s9 =	simm.s32 $0x17080  }
0x1f1: {  	[tilespmem:s9], [sflag:$0x1] =	stream.indirect_vreg.gather [hbm4b:s4+s2], $0x80, v3, vm0, $0xb8;
	[tilespmem:$0x18080] =	vst v63  }
0x1f2: {  	s9 =	simm.s32 $0x17880  }
0x1f3: {  	[tilespmem:s9], [sflag:$0x1] =	stream.indirect_vreg.gather [hbm4b:s5+s2], $0x80, v3, vm0, $0xb8;
	[tilespmem:$0x18080] =	vst v63  }
0x1f4: {  	_ =	swait.ge [sflag:s1], $0x18000  }
0x1f5: {  	[sflag:s1] =	ssyncset.done $0x0  }
0x1f6: {  	s9 =	rddreg [dreg:$0x8];
	[sflag:s1] =	ssyncadd.s32 $0xFFFE8000  }
0x1f7: {  	[hbm4b:s9+s2] =	stream.linear.scatter [tilespmem:s28], [sflag:$0x2], $0x18000, $0x38;
	[tilespmem:$0x18080] =	vst v63  }
0x1f8: {  	_ =	swait.ge [sflag:s7], $0x18000  }
0x1f9: {  	[sflag:s7] =	ssyncset.done $0x0  }
0x1fa: {  	s9 =	rddreg [dreg:$0x9];
	[sflag:s7] =	ssyncadd.s32 $0xFFFE8000  }
0x1fb: {  	[tilespmem:s2], [sflag:$0x2] =	stream.linear.gather [hbm4b:s9+s2], $0x80, $0x38;
	[tilespmem:$0x18080] =	vst v63  }
0x1fc: {  	_ =	swait.ge [sflag:s7], $0x80  }
0x1fd: {  	[sflag:s7] =	ssyncset.done $0x0  }
0x1fe: {  	[sflag:s7] =	ssyncadd.s32 $0xFFFFFF80  }
0x1ff: {  	v3 =	vld [tilespmem:$0x0];
	_ =	sdelay $0x4  }
0x200: {  	v56 =	vshrl.u32 v3, $0x3  }
0x201: {  	v4 =	vmul.u32 $0x30, v56  }
0x202: {  	v3 =	vand.u32 $0x7, v3  }
0x203: {  	v3 =	vor.u32 v3, v4  }
0x204: {  	v4 =	vperm.xlane v3, v0;
	_ =	sdelay $0x1  }
0x205: {  	v4 =	vadd.s32 v1, v4;
	_ =	sdelay $0x3  }
0x206: {  	v3 =	vperm.xlane v3, v2  }
0x207: {  	[tilespmem:s28], [sflag:$0x1] =	stream.indirect_vreg.gather [hbm4b:s3+s2], $0x80, v4, vm0, $0xb8;
	[tilespmem:$0x18080] =	vst v63  }
0x208: {  	s0 =	simm.s32 $0x880;
	v3 =	vadd.s32 v1, v3  }
0x209: {  	[tilespmem:s0], [sflag:$0x1] =	stream.indirect_vreg.gather [hbm4b:s4+s2], $0x80, v4, vm0, $0xb8;
	[tilespmem:$0x18080] =	vst v63  }
0x20a: {  	s8 =	simm.s32 $0x1080  }
0x20b: {  	[tilespmem:s8], [sflag:$0x1] =	stream.indirect_vreg.gather [hbm4b:s5+s2], $0x80, v4, vm0, $0xb8;
	[tilespmem:$0x18080] =	vst v63  }
0x20c: {  	s10 =	simm.s32 $0x1880  }
0x20d: {  	[tilespmem:s10], [sflag:$0x1] =	stream.indirect_vreg.gather [hbm4b:s3+s2], $0x80, v3, vm0, $0xb8;
	[tilespmem:$0x18080] =	vst v63  }
0x20e: {  	s11 =	simm.s32 $0x2080  }
0x20f: {  	[tilespmem:s11], [sflag:$0x1] =	stream.indirect_vreg.gather [hbm4b:s4+s2], $0x80, v3, vm0, $0xb8;
	[tilespmem:$0x18080] =	vst v63  }
0x210: {  	s10 =	simm.s32 $0x2880  }
0x211: {  	[tilespmem:s10], [sflag:$0x1] =	stream.indirect_vreg.gather [hbm4b:s5+s2], $0x80, v3, vm0, $0xb8;
	[tilespmem:$0x18080] =	vst v63  }
0x212: {  	v3 =	vld [tilespmem:$0x10];
	_ =	sdelay $0x4  }
0x213: {  	v57 =	vshrl.u32 v3, $0x3  }
0x214: {  	v4 =	vmul.u32 $0x30, v57  }
0x215: {  	v3 =	vand.u32 $0x7, v3  }
0x216: {  	v3 =	vor.u32 v3, v4  }
0x217: {  	v4 =	vperm.xlane v3, v0;
	_ =	sdelay $0x1  }
0x218: {  	v4 =	vadd.s32 v1, v4;
	_ =	sdelay $0x3  }
0x219: {  	s11 =	simm.s32 $0x3080;
	v3 =	vperm.xlane v3, v2  }
0x21a: {  	[tilespmem:s11], [sflag:$0x1] =	stream.indirect_vreg.gather [hbm4b:s3+s2], $0x80, v4, vm0, $0xb8;
	[tilespmem:$0x18080] =	vst v63  }
0x21b: {  	s12 =	simm.s32 $0x3880;
	v3 =	vadd.s32 v1, v3  }
0x21c: {  	[tilespmem:s12], [sflag:$0x1] =	stream.indirect_vreg.gather [hbm4b:s4+s2], $0x80, v4, vm0, $0xb8;
	[tilespmem:$0x18080] =	vst v63  }
0x21d: {  	s13 =	simm.s32 $0x4080  }
0x21e: {  	[tilespmem:s13], [sflag:$0x1] =	stream.indirect_vreg.gather [hbm4b:s5+s2], $0x80, v4, vm0, $0xb8;
	[tilespmem:$0x18080] =	vst v63  }
0x21f: {  	s14 =	simm.s32 $0x4880  }
0x220: {  	[tilespmem:s14], [sflag:$0x1] =	stream.indirect_vreg.gather [hbm4b:s3+s2], $0x80, v3, vm0, $0xb8;
	[tilespmem:$0x18080] =	vst v63  }
0x221: {  	s15 =	simm.s32 $0x5080  }
0x222: {  	[tilespmem:s15], [sflag:$0x1] =	stream.indirect_vreg.gather [hbm4b:s4+s2], $0x80, v3, vm0, $0xb8;
	[tilespmem:$0x18080] =	vst v63  }
0x223: {  	s14 =	simm.s32 $0x5880  }
0x224: {  	[tilespmem:s14], [sflag:$0x1] =	stream.indirect_vreg.gather [hbm4b:s5+s2], $0x80, v3, vm0, $0xb8;
	[tilespmem:$0x18080] =	vst v63  }
0x225: {  	v3 =	vld [tilespmem:$0x20];
	_ =	sdelay $0x4  }
0x226: {  	v58 =	vshrl.u32 v3, $0x3  }
0x227: {  	v4 =	vmul.u32 $0x30, v58  }
0x228: {  	v3 =	vand.u32 $0x7, v3  }
0x229: {  	v3 =	vor.u32 v3, v4  }
0x22a: {  	v4 =	vperm.xlane v3, v0;
	_ =	sdelay $0x1  }
0x22b: {  	v4 =	vadd.s32 v1, v4;
	_ =	sdelay $0x3  }
0x22c: {  	s15 =	simm.s32 $0x6080;
	v3 =	vperm.xlane v3, v2  }
0x22d: {  	[tilespmem:s15], [sflag:$0x1] =	stream.indirect_vreg.gather [hbm4b:s3+s2], $0x80, v4, vm0, $0xb8;
	[tilespmem:$0x18080] =	vst v63  }
0x22e: {  	s16 =	simm.s32 $0x6880;
	v3 =	vadd.s32 v1, v3  }
0x22f: {  	[tilespmem:s16], [sflag:$0x1] =	stream.indirect_vreg.gather [hbm4b:s4+s2], $0x80, v4, vm0, $0xb8;
	[tilespmem:$0x18080] =	vst v63  }
0x230: {  	s17 =	simm.s32 $0x7080  }
0x231: {  	[tilespmem:s17], [sflag:$0x1] =	stream.indirect_vreg.gather [hbm4b:s5+s2], $0x80, v4, vm0, $0xb8;
	[tilespmem:$0x18080] =	vst v63  }
0x232: {  	s18 =	simm.s32 $0x7880  }
0x233: {  	[tilespmem:s18], [sflag:$0x1] =	stream.indirect_vreg.gather [hbm4b:s3+s2], $0x80, v3, vm0, $0xb8;
	[tilespmem:$0x18080] =	vst v63  }
0x234: {  	s19 =	simm.s32 $0x8080  }
0x235: {  	[tilespmem:s19], [sflag:$0x1] =	stream.indirect_vreg.gather [hbm4b:s4+s2], $0x80, v3, vm0, $0xb8;
	[tilespmem:$0x18080] =	vst v63  }
0x236: {  	s8 =	simm.s32 $0x8880  }
0x237: {  	[tilespmem:s8], [sflag:$0x1] =	stream.indirect_vreg.gather [hbm4b:s5+s2], $0x80, v3, vm0, $0xb8;
	[tilespmem:$0x18080] =	vst v63  }
0x238: {  	v3 =	vld [tilespmem:$0x30];
	_ =	sdelay $0x4  }
0x239: {  	v59 =	vshrl.u32 v3, $0x3  }
0x23a: {  	v4 =	vmul.u32 $0x30, v59  }
0x23b: {  	v3 =	vand.u32 $0x7, v3  }
0x23c: {  	v3 =	vor.u32 v3, v4  }
0x23d: {  	v4 =	vperm.xlane v3, v0;
	_ =	sdelay $0x1  }
0x23e: {  	v4 =	vadd.s32 v1, v4;
	_ =	sdelay $0x3  }
0x23f: {  	s9 =	simm.s32 $0x9080;
	v3 =	vperm.xlane v3, v2  }
0x240: {  	[tilespmem:s9], [sflag:$0x1] =	stream.indirect_vreg.gather [hbm4b:s3+s2], $0x80, v4, vm0, $0xb8;
	[tilespmem:$0x18080] =	vst v63  }
0x241: {  	s20 =	simm.s32 $0x9880;
	v3 =	vadd.s32 v1, v3  }
0x242: {  	[tilespmem:s20], [sflag:$0x1] =	stream.indirect_vreg.gather [hbm4b:s4+s2], $0x80, v4, vm0, $0xb8;
	[tilespmem:$0x18080] =	vst v63  }
0x243: {  	s21 =	simm.s32 $0xA080  }
0x244: {  	[tilespmem:s21], [sflag:$0x1] =	stream.indirect_vreg.gather [hbm4b:s5+s2], $0x80, v4, vm0, $0xb8;
	[tilespmem:$0x18080] =	vst v63  }
0x245: {  	s22 =	simm.s32 $0xA880  }
0x246: {  	[tilespmem:s22], [sflag:$0x1] =	stream.indirect_vreg.gather [hbm4b:s3+s2], $0x80, v3, vm0, $0xb8;
	[tilespmem:$0x18080] =	vst v63  }
0x247: {  	s10 =	simm.s32 $0xB080  }
0x248: {  	[tilespmem:s10], [sflag:$0x1] =	stream.indirect_vreg.gather [hbm4b:s4+s2], $0x80, v3, vm0, $0xb8;
	[tilespmem:$0x18080] =	vst v63  }
0x249: {  	s11 =	simm.s32 $0xB880  }
0x24a: {  	[tilespmem:s11], [sflag:$0x1] =	stream.indirect_vreg.gather [hbm4b:s5+s2], $0x80, v3, vm0, $0xb8;
	[tilespmem:$0x18080] =	vst v63  }
0x24b: {  	v3 =	vld [tilespmem:$0x40];
	_ =	sdelay $0x4  }
0x24c: {  	v60 =	vshrl.u32 v3, $0x3  }
0x24d: {  	v4 =	vmul.u32 $0x30, v60  }
0x24e: {  	v3 =	vand.u32 $0x7, v3  }
0x24f: {  	v3 =	vor.u32 v3, v4  }
0x250: {  	v4 =	vperm.xlane v3, v0;
	_ =	sdelay $0x1  }
0x251: {  	v4 =	vadd.s32 v1, v4;
	_ =	sdelay $0x3  }
0x252: {  	s12 =	simm.s32 $0xC080;
	v3 =	vperm.xlane v3, v2  }
0x253: {  	[tilespmem:s12], [sflag:$0x1] =	stream.indirect_vreg.gather [hbm4b:s3+s2], $0x80, v4, vm0, $0xb8;
	[tilespmem:$0x18080] =	vst v63  }
0x254: {  	s23 =	simm.s32 $0xC880;
	v3 =	vadd.s32 v1, v3  }
0x255: {  	[tilespmem:s23], [sflag:$0x1] =	stream.indirect_vreg.gather [hbm4b:s4+s2], $0x80, v4, vm0, $0xb8;
	[tilespmem:$0x18080] =	vst v63  }
0x256: {  	s24 =	simm.s32 $0xD080  }
0x257: {  	[tilespmem:s24], [sflag:$0x1] =	stream.indirect_vreg.gather [hbm4b:s5+s2], $0x80, v4, vm0, $0xb8;
	[tilespmem:$0x18080] =	vst v63  }
0x258: {  	s25 =	simm.s32 $0xD880  }
0x259: {  	[tilespmem:s25], [sflag:$0x1] =	stream.indirect_vreg.gather [hbm4b:s3+s2], $0x80, v3, vm0, $0xb8;
	[tilespmem:$0x18080] =	vst v63  }
0x25a: {  	s26 =	simm.s32 $0xE080  }
0x25b: {  	[tilespmem:s26], [sflag:$0x1] =	stream.indirect_vreg.gather [hbm4b:s4+s2], $0x80, v3, vm0, $0xb8;
	[tilespmem:$0x18080] =	vst v63  }
0x25c: {  	s13 =	simm.s32 $0xE880  }
0x25d: {  	[tilespmem:s13], [sflag:$0x1] =	stream.indirect_vreg.gather [hbm4b:s5+s2], $0x80, v3, vm0, $0xb8;
	[tilespmem:$0x18080] =	vst v63  }
0x25e: {  	v3 =	vld [tilespmem:$0x50];
	_ =	sdelay $0x4  }
0x25f: {  	v61 =	vshrl.u32 v3, $0x3  }
0x260: {  	v4 =	vmul.u32 $0x30, v61  }
0x261: {  	v3 =	vand.u32 $0x7, v3  }
0x262: {  	v3 =	vor.u32 v3, v4  }
0x263: {  	v4 =	vperm.xlane v3, v0;
	_ =	sdelay $0x1  }
0x264: {  	v4 =	vadd.s32 v1, v4;
	_ =	sdelay $0x3  }
0x265: {  	s14 =	simm.s32 $0xF080;
	v3 =	vperm.xlane v3, v2  }
0x266: {  	[tilespmem:s14], [sflag:$0x1] =	stream.indirect_vreg.gather [hbm4b:s3+s2], $0x80, v4, vm0, $0xb8;
	[tilespmem:$0x18080] =	vst v63  }
0x267: {  	s29 =	simm.s32 $0xF880;
	v3 =	vadd.s32 v1, v3  }
0x268: {  	[tilespmem:s29], [sflag:$0x1] =	stream.indirect_vreg.gather [hbm4b:s4+s2], $0x80, v4, vm0, $0xb8;
	[tilespmem:$0x18080] =	vst v63  }
0x269: {  	s30 =	simm.s32 $0x10080  }
0x26a: {  	[tilespmem:s30], [sflag:$0x1] =	stream.indirect_vreg.gather [hbm4b:s5+s2], $0x80, v4, vm0, $0xb8;
	[tilespmem:$0x18080] =	vst v63  }
0x26b: {  	s31 =	simm.s32 $0x10880  }
0x26c: {  	[tilespmem:s31], [sflag:$0x1] =	stream.indirect_vreg.gather [hbm4b:s3+s2], $0x80, v3, vm0, $0xb8;
	[tilespmem:$0x18080] =	vst v63  }
0x26d: {  	s15 =	simm.s32 $0x11080  }
0x26e: {  	[tilespmem:s15], [sflag:$0x1] =	stream.indirect_vreg.gather [hbm4b:s4+s2], $0x80, v3, vm0, $0xb8;
	[tilespmem:$0x18080] =	vst v63  }
0x26f: {  	s16 =	simm.s32 $0x11880  }
0x270: {  	[tilespmem:s16], [sflag:$0x1] =	stream.indirect_vreg.gather [hbm4b:s5+s2], $0x80, v3, vm0, $0xb8;
	[tilespmem:$0x18080] =	vst v63  }
0x271: {  	v3 =	vld [tilespmem:$0x60];
	_ =	sdelay $0x4  }
0x272: {  	v62 =	vshrl.u32 v3, $0x3  }
0x273: {  	v4 =	vmul.u32 $0x30, v62  }
0x274: {  	v3 =	vand.u32 $0x7, v3  }
0x275: {  	v3 =	vor.u32 v3, v4  }
0x276: {  	v4 =	vperm.xlane v3, v0;
	_ =	sdelay $0x1  }
0x277: {  	v4 =	vadd.s32 v1, v4;
	_ =	sdelay $0x3  }
0x278: {  	s17 =	simm.s32 $0x12080;
	v3 =	vperm.xlane v3, v2  }
0x279: {  	[tilespmem:s17], [sflag:$0x1] =	stream.indirect_vreg.gather [hbm4b:s3+s2], $0x80, v4, vm0, $0xb8;
	[tilespmem:$0x18080] =	vst v63  }
0x27a: {  	s18 =	simm.s32 $0x12880;
	v3 =	vadd.s32 v1, v3  }
0x27b: {  	[tilespmem:s18], [sflag:$0x1] =	stream.indirect_vreg.gather [hbm4b:s4+s2], $0x80, v4, vm0, $0xb8;
	[tilespmem:$0x18080] =	vst v63  }
0x27c: {  	s19 =	simm.s32 $0x13080  }
0x27d: {  	[tilespmem:s19], [sflag:$0x1] =	stream.indirect_vreg.gather [hbm4b:s5+s2], $0x80, v4, vm0, $0xb8;
	[tilespmem:$0x18080] =	vst v63  }
0x27e: {  	s20 =	simm.s32 $0x13880  }
0x27f: {  	[tilespmem:s20], [sflag:$0x1] =	stream.indirect_vreg.gather [hbm4b:s3+s2], $0x80, v3, vm0, $0xb8;
	[tilespmem:$0x18080] =	vst v63  }
0x280: {  	s21 =	simm.s32 $0x14080  }
0x281: {  	[tilespmem:s21], [sflag:$0x1] =	stream.indirect_vreg.gather [hbm4b:s4+s2], $0x80, v3, vm0, $0xb8;
	[tilespmem:$0x18080] =	vst v63  }
0x282: {  	s22 =	simm.s32 $0x14880  }
0x283: {  	[tilespmem:s22], [sflag:$0x1] =	stream.indirect_vreg.gather [hbm4b:s5+s2], $0x80, v3, vm0, $0xb8;
	[tilespmem:$0x18080] =	vst v63  }
0x284: {  	v3 =	vld [tilespmem:$0x70];
	_ =	sdelay $0x4  }
0x285: {  	v63 =	vshrl.u32 v3, $0x3  }
0x286: {  	v4 =	vmul.u32 $0x30, v63  }
0x287: {  	v3 =	vand.u32 $0x7, v3  }
0x288: {  	v3 =	vor.u32 v3, v4  }
0x289: {  	v4 =	vperm.xlane v3, v0;
	_ =	sdelay $0x1  }
0x28a: {  	v4 =	vadd.s32 v1, v4;
	_ =	sdelay $0x3  }
0x28b: {  	s23 =	simm.s32 $0x15080;
	v3 =	vperm.xlane v3, v2  }
0x28c: {  	[tilespmem:s23], [sflag:$0x1] =	stream.indirect_vreg.gather [hbm4b:s3+s2], $0x80, v4, vm0, $0xb8;
	[tilespmem:$0x18080] =	vst v63  }
0x28d: {  	s24 =	simm.s32 $0x15880;
	v3 =	vadd.s32 v1, v3  }
0x28e: {  	[tilespmem:s24], [sflag:$0x1] =	stream.indirect_vreg.gather [hbm4b:s4+s2], $0x80, v4, vm0, $0xb8;
	[tilespmem:$0x18080] =	vst v63  }
0x28f: {  	s25 =	simm.s32 $0x16080  }
0x290: {  	[tilespmem:s25], [sflag:$0x1] =	stream.indirect_vreg.gather [hbm4b:s5+s2], $0x80, v4, vm0, $0xb8;
	[tilespmem:$0x18080] =	vst v63  }
0x291: {  	s26 =	simm.s32 $0x16880  }
0x292: {  	[tilespmem:s26], [sflag:$0x1] =	stream.indirect_vreg.gather [hbm4b:s3+s2], $0x80, v3, vm0, $0xb8;
	[tilespmem:$0x18080] =	vst v63  }
0x293: {  	s29 =	simm.s32 $0x17080  }
0x294: {  	[tilespmem:s29], [sflag:$0x1] =	stream.indirect_vreg.gather [hbm4b:s4+s2], $0x80, v3, vm0, $0xb8;
	[tilespmem:$0x18080] =	vst v63  }
0x295: {  	s30 =	simm.s32 $0x17880  }
0x296: {  	[tilespmem:s30], [sflag:$0x1] =	stream.indirect_vreg.gather [hbm4b:s5+s2], $0x80, v3, vm0, $0xb8;
	[tilespmem:$0x18080] =	vst v63  }
0x297: {  	_ =	swait.ge [sflag:s1], $0x18000  }
0x298: {  	p0 =	sne.s32 s6, $0x1;
	[sflag:s1] =	ssyncset.done $0x0  }
.Ltmp0:
0x299: {  	s31 =	rddreg [dreg:$0xa];
	[sflag:s1] =	ssyncadd.s32 $0xFFFE8000;
	(pc) =	sbr.rel @p0 .LBB2_1-.Ltmp0, $4  }
0x29a: {  	[hbm4b:s31+s2] =	stream.linear.scatter [tilespmem:s28], [sflag:$0x2], $0x18000, $0x38;
	[tilespmem:$0x18080] =	vst v63  }
0x29b: {  	_ =	swait.ge [sflag:s7], $0x18000  }
0x29c: {  	[sflag:s7] =	ssyncset.done $0x0  }
0x29d: {  	s6 =	sadd.s32 $0xFFFFFFFF, s6;
	[sflag:s7] =	ssyncadd.s32 $0xFFFE8000  }
0x29e: {  	_ =	sfence.sel $0x180000  }
0x29f: {  	[bflag:$0x0] =	sbarrier.arrive $0xFFFF  }
0x2a0: {  	_ =	strace $0x90000047  }
0x2a1: {  	s0 =	stileid.u32;
	[bflag:$0x2] =	sbarrier.arrive $0xFFFF  }
0x2a2: {  	p0 =	sne.s32 s0, $0x0;
	s0 =	rddreg [dreg:$0x2]  }
0x2a3: {  	s0 =	sadd.s32 @!p0 $0x100000, s0  }
0x2a4: {  	[sflag:s0] =	ssyncadd.tile.s32 @!p0 $0x1;
	_ =	shalt  }
.Lfunc_end2:
_tile_overlayer_lowered:
.L_overlay_start_2:
0x2a5: {  	(tag) =	ssettag $0x2  }
0x2a6: {  	s0 =	rddreg [dreg:$0x0];
	s2 =	stileid.u32  }
0x2a7: {  	s1 =	rddreg [dreg:$0x1];
	p0 =	sne.s32 s2, $0x0  }
0x2a8: {  	s3 =	rddreg [dreg:$0x2];
	[bflag:$0x3] =	sbarrier.arrive $0xFFFF;
	s2 =	simm.s32 @!p0 $0x1C02  }
0x2a9: {  	[timem:s3], [sflag:s2] =	dma.local @!p0 [hbm:s0], s1  }
0x2aa: {  	s0 =	simm.s32 @!p0 $0x2  }
0x2ab: {  	_ =	swait.ge @!p0 [sflag:s0], s1  }
0x2ac: {  	s1 =	ssub.s32 @!p0 $0x0, s1;
	[sflag:s0] =	ssyncset.done @!p0 $0x0  }
0x2ad: {  	[sflag:s0] =	ssyncadd.s32 @!p0 s1  }
0x2ae: {  	[bflag:$0x3] =	sbarrier.arrive $0xFFFF  }
0x2af: {  	_ =	shalt  }

</sc_bundles>
